<compile_context>
chip_gen: v7x
topology: tpu7x:2x2x1
jax: 0.10.2.dev20260603
libtpu: 0.0.44.dev20260713+nightly
codegen_flags: <defaults>
</compile_context>

<pallas_src>
import functools

import jax
import jax.numpy as jnp
from jax import lax
from jax.experimental import pallas as pl
from jax.experimental.pallas import tpu as pltpu
from jax.experimental.pallas import tpu_sc as plsc

B, C, E, P = 32, 16, 128, 512
NUM_PERM = 1000

NC, NS, L = 2, 16, 16
NW = NC * NS
PAIRS_PER_W = (B * C) // NW
CE = 32
NCH = E // CE
NU = PAIRS_PER_W * NCH


def _shuffle_gather(x3, order):
    mesh = plsc.VectorSubcoreMesh(core_axis_name="c", subcore_axis_name="s")

    @functools.partial(
        pl.kernel,
        out_type=jax.ShapeDtypeStruct((B * C, E, P), jnp.float32),
        mesh=mesh,
        compiler_params=pltpu.CompilerParams(needs_layout_passes=False),
        scratch_types=[
            pltpu.VMEM((P,), jnp.int32),
            pltpu.VMEM((CE, P), jnp.float32),
            pltpu.VMEM((CE, P), jnp.float32),
            pltpu.VMEM((CE, P), jnp.float32),
            pltpu.VMEM((CE, P), jnp.float32),
            pltpu.SemaphoreType.DMA,
            pltpu.SemaphoreType.DMA,
            pltpu.SemaphoreType.DMA,
            pltpu.SemaphoreType.DMA,
        ],
    )
    def k(x_hbm, idx_hbm, out_hbm, idxbuf, in0, in1, out0, out1,
          isem0, isem1, osem0, osem1):
        cid = lax.axis_index("c")
        sid = lax.axis_index("s")
        w = sid * NC + cid
        c = w // 2
        bh = w % 2
        inb = (in0, in1)
        outb = (out0, out1)
        isem = (isem0, isem1)
        osem = (osem0, osem1)

        pltpu.sync_copy(idx_hbm.at[c], idxbuf)

        def unit_slot(u):
            kk = u // NCH
            ch = u % NCH
            b = bh * (B // 2) + kk
            return b * C + c, ch * CE

        def in_copy(u, par):
            pair, e0 = unit_slot(u)
            return pltpu.make_async_copy(
                x_hbm.at[pair, pl.ds(e0, CE), :], inb[par], isem[par])

        def out_copy(u, par):
            pair, e0 = unit_slot(u)
            return pltpu.make_async_copy(
                outb[par], out_hbm.at[pair, pl.ds(e0, CE), :], osem[par])

        def compute(inbuf, outbuf):
            @plsc.parallel_loop(0, P // L, unroll=8)
            def j_body(j):
                iv = idxbuf[pl.ds(j * L, L)]

                @plsc.parallel_loop(0, CE, unroll=8)
                def e_body(e):
                    ev = jnp.full((L,), e, dtype=jnp.int32)
                    outbuf[e, pl.ds(j * L, L)] = plsc.load_gather(
                        inbuf, [ev, iv])

        in_copy(0, 0).start()

        def outer(i, _):
            for par in range(2):
                u = i * 2 + par

                @pl.when(u + 1 < NU)
                def _start_next():
                    in_copy(u + 1, 1 - par).start()

                in_copy(u, par).wait()

                @pl.when(u >= 2)
                def _drain_prev():
                    out_copy(u - 2, par).wait()

                compute(inb[par], outb[par])
                out_copy(u, par).start()
            return 0

        lax.fori_loop(0, NU // 2, outer, 0)
        out_copy(NU - 2, 0).wait()
        out_copy(NU - 1, 1).wait()

    return k(x3, order)


def kernel(X, shuffled_idx):
    rand_idx = jax.random.randint(jax.random.key(1), (1,), 0, NUM_PERM - 1)[0]
    order = lax.dynamic_index_in_dim(
        shuffled_idx, rand_idx, axis=0, keepdims=False
    ).astype(jnp.int32)
    x3 = X.reshape(B * C, E, P)
    out = _shuffle_gather(x3, order)
    return out.reshape(B, C, E, P)

# --- scband reference (transcript-rebuilt; emitter-appended) ---
"""Pipeline reference for scband-patch-soft-shuffler-72782515798939 (READ-ONLY COPY).

The authoritative reference and input builder live on the scoring server;
editing this copy changes nothing except your own understanding.
"""

import jax, jax.numpy as jnp
import numpy as np

B, C, E, P = 32, 16, 128, 512
NUM_PERM = 1000

def setup_inputs(seed: int = 0) -> dict:
    key = jax.random.key(seed)
    kx, kidx = jax.random.split(key)
    X = jax.random.normal(kx, (B, C, E, P), dtype=jnp.float32)
    # Precomputed shuffle index table [num_permutations, C, P].
    # In the original module these are permutations built by repeated swaps;
    # random in-range indices preserve the same gather access pattern.
    shuffled_idx = jax.random.randint(kidx, (NUM_PERM, C, P), 0, P, dtype=jnp.int64)
    return {"X": X, "shuffled_idx": shuffled_idx}

def reference(X, shuffled_idx):
    # rearrange 'b c e p -> b e c p'
    Xt = jnp.transpose(X, (0, 2, 1, 3))
    # torch.randint(0, num_permutations - 1, (1,)) -- deterministic key here
    rand_idx = jax.random.randint(jax.random.key(1), (1,), 0, NUM_PERM - 1)[0]
    shuffle_order = shuffled_idx[rand_idx]  # [C, P]
    expanded = jnp.broadcast_to(shuffle_order[None, None, :, :], (Xt.shape[0], Xt.shape[1], shuffle_order.shape[0], shuffle_order.shape[1]))
    X_prime = jnp.take_along_axis(Xt, expanded, axis=3)
    # rearrange 'b e c p -> b c e p'
    X_shuffled = jnp.transpose(X_prime, (0, 2, 1, 3))
    return X_shuffled

if __name__ == "__main__":
    import jax
    _d = setup_inputs()
    print(jax.jit(kernel)(*tuple(_d.values())))

</pallas_src>

<mosaic_0001>
#map = affine_map<(d0, d1) -> (0, 0, 0)>
#map1 = affine_map<(d0, d1) -> (0, 0)>
module attributes {stable_mosaic.version = 14 : i64} {
  func.func @k(%arg0: i32, %arg1: i32, %arg2: memref<512x128x512xf32, #tpu.memory_space<hbm>>, %arg3: memref<16x512xi32, #tpu.memory_space<hbm>>, %arg4: memref<512x128x512xf32, #tpu.memory_space<hbm>>, %arg5: memref<512xi32, #tpu.memory_space<vmem>>, %arg6: memref<32x512xf32, #tpu.memory_space<vmem>>, %arg7: memref<32x512xf32, #tpu.memory_space<vmem>>, %arg8: memref<32x512xf32, #tpu.memory_space<vmem>>, %arg9: memref<32x512xf32, #tpu.memory_space<vmem>>, %arg10: memref<!tpu.dma_semaphore, #tpu.memory_space<semaphore_mem>>, %arg11: memref<!tpu.dma_semaphore, #tpu.memory_space<semaphore_mem>>, %arg12: memref<!tpu.dma_semaphore, #tpu.memory_space<semaphore_mem>>, %arg13: memref<!tpu.dma_semaphore, #tpu.memory_space<semaphore_mem>>) attributes {dimension_semantics = [#tpu.dimension_semantics<core_parallel>, #tpu.dimension_semantics<subcore_parallel>], iteration_bounds = array<i64: 2, 16>, scalar_prefetch = 0 : i64, scratch_operands = 9 : i64, tpu.core_type = #tpu.core_type<sc_vector_subcore>, window_params = [{transform_indices = #map}, {transform_indices = #map1}, {transform_indices = #map}]} {
    %mul3A = arith.constant 2 : i32
    %mul3A_0 = arith.muli %arg1, %mul3A : i32
    %add3A = arith.addi %mul3A_0, %arg0 : i32
    %jit3A = arith.constant 2 : i32
    %div3A = arith.divsi %add3A, %jit3A : i32
    %sign3A = arith.constant 0 : i32
    %sign3A_1 = arith.cmpi sgt, %add3A, %sign3A : i32
    %sign3A_2 = arith.extui %sign3A_1 : i1 to i32
    %sign3A_3 = arith.constant 0 : i32
    %sign3A_4 = arith.cmpi slt, %add3A, %sign3A_3 : i32
    %sign3A_5 = arith.extui %sign3A_4 : i1 to i32
    %sign3A_6 = arith.subi %sign3A_2, %sign3A_5 : i32
    %sign3A_7 = arith.constant 0 : i32
    %sign3A_8 = arith.cmpi sgt, %jit3A, %sign3A_7 : i32
    %sign3A_9 = arith.extui %sign3A_8 : i1 to i32
    %sign3A_10 = arith.constant 0 : i32
    %sign3A_11 = arith.cmpi slt, %jit3A, %sign3A_10 : i32
    %sign3A_12 = arith.extui %sign3A_11 : i1 to i32
    %sign3A_13 = arith.subi %sign3A_9, %sign3A_12 : i32
    %ne3A = arith.cmpi ne, %sign3A_6, %sign3A_13 : i32
    %rem3A = arith.remsi %add3A, %jit3A : i32
    %ne3A_14 = arith.constant 0 : i32
    %ne3A_15 = arith.cmpi ne, %rem3A, %ne3A_14 : i32
    %and3A = arith.andi %ne3A, %ne3A_15 : i1
    %sub3A = arith.constant 1 : i32
    %sub3A_16 = arith.subi %div3A, %sub3A : i32
    %select_n3A = arith.select %and3A, %sub3A_16, %div3A : i32
    %jit3A_17 = arith.constant 2 : i32
    %eq3A = arith.constant 0 : i32
    %eq3A_18 = arith.cmpi eq, %jit3A_17, %eq3A : i32
    %jit3A_19 = arith.constant 1 : i32
    %select_n3A_20 = arith.select %eq3A_18, %jit3A_19, %jit3A_17 : i32
    %rem3A_21 = arith.remsi %add3A, %select_n3A_20 : i32
    %ne3A_22 = arith.constant 0 : i32
    %ne3A_23 = arith.cmpi ne, %rem3A_21, %ne3A_22 : i32
    %lt3A = arith.constant 0 : i32
    %lt3A_24 = arith.cmpi slt, %rem3A_21, %lt3A : i32
    %lt3A_25 = arith.constant 0 : i32
    %lt3A_26 = arith.cmpi slt, %select_n3A_20, %lt3A_25 : i32
    %ne3A_27 = arith.xori %lt3A_24, %lt3A_26 : i1
    %and3A_28 = arith.andi %ne3A_27, %ne3A_23 : i1
    %add3A_29 = arith.addi %rem3A_21, %select_n3A_20 : i32
    %select_n3A_30 = arith.select %and3A_28, %add3A_29, %rem3A_21 : i32
    "tpu.region"() ({
      %run_scoped3A = tpu.sem_alloc : memref<!tpu.dma_semaphore, #tpu.memory_space<semaphore_mem>>
      %dma_start3A_80 = arith.constant 0 : i32
      %dma_start3A_81 = tpu.memref_slice %arg3[%select_n3A, %dma_start3A_80] : memref<16x512xi32, #tpu.memory_space<hbm>> -> memref<1x512xi32, #tpu.memory_space<hbm>>
      %dma_start3A_82 = tpu.memref_squeeze %dma_start3A_81 : memref<1x512xi32, #tpu.memory_space<hbm>> -> memref<512xi32, #tpu.memory_space<hbm>>
      %dma_start3A_83 = arith.constant 0 : i32
      %dma_start3A_84 = tpu.memref_slice %arg3[%select_n3A, %dma_start3A_83] : memref<16x512xi32, #tpu.memory_space<hbm>> -> memref<1x512xi32, #tpu.memory_space<hbm>>
      %dma_start3A_85 = tpu.memref_squeeze %dma_start3A_84 : memref<1x512xi32, #tpu.memory_space<hbm>> -> memref<512xi32, #tpu.memory_space<hbm>>
      tpu.enqueue_dma source(%dma_start3A_85 : memref<512xi32, #tpu.memory_space<hbm>>) target(%arg5 : memref<512xi32, #tpu.memory_space<vmem>>) target_semaphore(%run_scoped3A : memref<!tpu.dma_semaphore, #tpu.memory_space<semaphore_mem>>)
      %dma_wait3A_86 = arith.constant 0 : i32
      %dma_wait3A_87 = tpu.memref_slice %arg3[%select_n3A, %dma_wait3A_86] : memref<16x512xi32, #tpu.memory_space<hbm>> -> memref<1x512xi32, #tpu.memory_space<hbm>>
      %dma_wait3A_88 = tpu.memref_squeeze %dma_wait3A_87 : memref<1x512xi32, #tpu.memory_space<hbm>> -> memref<512xi32, #tpu.memory_space<hbm>>
      %dma_wait3A_89 = arith.constant 0 : i32
      %dma_wait3A_90 = tpu.memref_slice %arg3[%select_n3A, %dma_wait3A_89] : memref<16x512xi32, #tpu.memory_space<hbm>> -> memref<1x512xi32, #tpu.memory_space<hbm>>
      %dma_wait3A_91 = tpu.memref_squeeze %dma_wait3A_90 : memref<1x512xi32, #tpu.memory_space<hbm>> -> memref<512xi32, #tpu.memory_space<hbm>>
      tpu.wait_dma2 semaphore(%run_scoped3A : memref<!tpu.dma_semaphore, #tpu.memory_space<semaphore_mem>>) src(%dma_wait3A_91 : memref<512xi32, #tpu.memory_space<hbm>>) dst(%arg5 : memref<512xi32, #tpu.memory_space<vmem>>)
      tpu.yield
    }) : () -> ()
    %mul3A_31 = arith.constant 16 : i32
    %mul3A_32 = arith.muli %select_n3A_30, %mul3A_31 : i32
    %add3A_33 = arith.constant 0 : i32
    %add3A_34 = arith.addi %mul3A_32, %add3A_33 : i32
    %mul3A_35 = arith.constant 16 : i32
    %mul3A_36 = arith.muli %add3A_34, %mul3A_35 : i32
    %add3A_37 = arith.addi %mul3A_36, %select_n3A : i32
    %dma_start3A = arith.constant 0 : i32
    %dma_start3A_38 = arith.constant 0 : i32
    %dma_start3A_39 = tpu.memref_slice %arg2[%add3A_37, %dma_start3A, %dma_start3A_38] : memref<512x128x512xf32, #tpu.memory_space<hbm>> -> memref<1x32x512xf32, #tpu.memory_space<hbm>>
    %dma_start3A_40 = tpu.memref_squeeze %dma_start3A_39 : memref<1x32x512xf32, #tpu.memory_space<hbm>> -> memref<32x512xf32, #tpu.memory_space<hbm>>
    %dma_start3A_41 = arith.constant 0 : i32
    %dma_start3A_42 = arith.constant 0 : i32
    %dma_start3A_43 = tpu.memref_slice %arg2[%add3A_37, %dma_start3A_41, %dma_start3A_42] : memref<512x128x512xf32, #tpu.memory_space<hbm>> -> memref<1x32x512xf32, #tpu.memory_space<hbm>>
    %dma_start3A_44 = tpu.memref_squeeze %dma_start3A_43 : memref<1x32x512xf32, #tpu.memory_space<hbm>> -> memref<32x512xf32, #tpu.memory_space<hbm>>
    tpu.enqueue_dma source(%dma_start3A_44 : memref<32x512xf32, #tpu.memory_space<hbm>>) target(%arg6 : memref<32x512xf32, #tpu.memory_space<vmem>>) target_semaphore(%arg10 : memref<!tpu.dma_semaphore, #tpu.memory_space<semaphore_mem>>)
    %scan3A = arith.constant 0 : i32
    %scan3A_45 = arith.constant 0 : i32
    %scan3A_46 = arith.constant 32 : i32
    %scan3A_47 = arith.addi %scan3A_45, %scan3A_46 : i32
    %scan3A_48 = arith.constant 1 : i32
    %scan3A_49 = scf.for %scan3A_80 = %scan3A_45 to %scan3A_47 step %scan3A_48 iter_args(%scan3A_81 = %scan3A) -> (i32)  : i32 {
      %mul3A_82 = arith.constant 2 : i32
      %mul3A_83 = arith.muli %scan3A_80, %mul3A_82 : i32
      %add3A_84 = arith.constant 0 : i32
      %add3A_85 = arith.addi %mul3A_83, %add3A_84 : i32
      %add3A_86 = arith.constant 1 : i32
      %add3A_87 = arith.addi %add3A_85, %add3A_86 : i32
      %lt3A_88 = arith.constant 64 : i32
      %lt3A_89 = arith.cmpi slt, %add3A_87, %lt3A_88 : i32
      %convert_element_type3A = arith.extui %lt3A_89 : i1 to i32
      %cond3A = arith.constant 0 : i32
      %cond3A_90 = arith.cmpi ne, %convert_element_type3A, %cond3A : i32
      scf.if %cond3A_90 {
        %add3A_333 = arith.constant 1 : i32
        %add3A_334 = arith.addi %add3A_85, %add3A_333 : i32
        %jit3A_335 = arith.constant 4 : i32
        %div3A_336 = arith.divsi %add3A_334, %jit3A_335 : i32
        %sign3A_337 = arith.constant 0 : i32
        %sign3A_338 = arith.cmpi sgt, %add3A_334, %sign3A_337 : i32
        %sign3A_339 = arith.extui %sign3A_338 : i1 to i32
        %sign3A_340 = arith.constant 0 : i32
        %sign3A_341 = arith.cmpi slt, %add3A_334, %sign3A_340 : i32
        %sign3A_342 = arith.extui %sign3A_341 : i1 to i32
        %sign3A_343 = arith.subi %sign3A_339, %sign3A_342 : i32
        %sign3A_344 = arith.constant 0 : i32
        %sign3A_345 = arith.cmpi sgt, %jit3A_335, %sign3A_344 : i32
        %sign3A_346 = arith.extui %sign3A_345 : i1 to i32
        %sign3A_347 = arith.constant 0 : i32
        %sign3A_348 = arith.cmpi slt, %jit3A_335, %sign3A_347 : i32
        %sign3A_349 = arith.extui %sign3A_348 : i1 to i32
        %sign3A_350 = arith.subi %sign3A_346, %sign3A_349 : i32
        %ne3A_351 = arith.cmpi ne, %sign3A_343, %sign3A_350 : i32
        %rem3A_352 = arith.remsi %add3A_334, %jit3A_335 : i32
        %ne3A_353 = arith.constant 0 : i32
        %ne3A_354 = arith.cmpi ne, %rem3A_352, %ne3A_353 : i32
        %and3A_355 = arith.andi %ne3A_351, %ne3A_354 : i1
        %sub3A_356 = arith.constant 1 : i32
        %sub3A_357 = arith.subi %div3A_336, %sub3A_356 : i32
        %select_n3A_358 = arith.select %and3A_355, %sub3A_357, %div3A_336 : i32
        %jit3A_359 = arith.constant 4 : i32
        %eq3A_360 = arith.constant 0 : i32
        %eq3A_361 = arith.cmpi eq, %jit3A_359, %eq3A_360 : i32
        %jit3A_362 = arith.constant 1 : i32
        %select_n3A_363 = arith.select %eq3A_361, %jit3A_362, %jit3A_359 : i32
        %rem3A_364 = arith.remsi %add3A_334, %select_n3A_363 : i32
        %ne3A_365 = arith.constant 0 : i32
        %ne3A_366 = arith.cmpi ne, %rem3A_364, %ne3A_365 : i32
        %lt3A_367 = arith.constant 0 : i32
        %lt3A_368 = arith.cmpi slt, %rem3A_364, %lt3A_367 : i32
        %lt3A_369 = arith.constant 0 : i32
        %lt3A_370 = arith.cmpi slt, %select_n3A_363, %lt3A_369 : i32
        %ne3A_371 = arith.xori %lt3A_368, %lt3A_370 : i1
        %and3A_372 = arith.andi %ne3A_371, %ne3A_366 : i1
        %add3A_373 = arith.addi %rem3A_364, %select_n3A_363 : i32
        %select_n3A_374 = arith.select %and3A_372, %add3A_373, %rem3A_364 : i32
        %mul3A_375 = arith.constant 16 : i32
        %mul3A_376 = arith.muli %select_n3A_30, %mul3A_375 : i32
        %add3A_377 = arith.addi %mul3A_376, %select_n3A_358 : i32
        %mul3A_378 = arith.constant 16 : i32
        %mul3A_379 = arith.muli %add3A_377, %mul3A_378 : i32
        %add3A_380 = arith.addi %mul3A_379, %select_n3A : i32
        %mul3A_381 = arith.constant 32 : i32
        %mul3A_382 = arith.muli %select_n3A_374, %mul3A_381 : i32
        %dma_start3A_383 = arith.constant 0 : i32
        %dma_start3A_384 = tpu.memref_slice %arg2[%add3A_380, %mul3A_382, %dma_start3A_383] : memref<512x128x512xf32, #tpu.memory_space<hbm>> -> memref<1x32x512xf32, #tpu.memory_space<hbm>>
        %dma_start3A_385 = tpu.memref_squeeze %dma_start3A_384 : memref<1x32x512xf32, #tpu.memory_space<hbm>> -> memref<32x512xf32, #tpu.memory_space<hbm>>
        %dma_start3A_386 = arith.constant 0 : i32
        %dma_start3A_387 = tpu.memref_slice %arg2[%add3A_380, %mul3A_382, %dma_start3A_386] : memref<512x128x512xf32, #tpu.memory_space<hbm>> -> memref<1x32x512xf32, #tpu.memory_space<hbm>>
        %dma_start3A_388 = tpu.memref_squeeze %dma_start3A_387 : memref<1x32x512xf32, #tpu.memory_space<hbm>> -> memref<32x512xf32, #tpu.memory_space<hbm>>
        tpu.enqueue_dma source(%dma_start3A_388 : memref<32x512xf32, #tpu.memory_space<hbm>>) target(%arg7 : memref<32x512xf32, #tpu.memory_space<vmem>>) target_semaphore(%arg11 : memref<!tpu.dma_semaphore, #tpu.memory_space<semaphore_mem>>)
      } else {
      }
      %jit3A_91 = arith.constant 4 : i32
      %div3A_92 = arith.divsi %add3A_85, %jit3A_91 : i32
      %sign3A_93 = arith.constant 0 : i32
      %sign3A_94 = arith.cmpi sgt, %add3A_85, %sign3A_93 : i32
      %sign3A_95 = arith.extui %sign3A_94 : i1 to i32
      %sign3A_96 = arith.constant 0 : i32
      %sign3A_97 = arith.cmpi slt, %add3A_85, %sign3A_96 : i32
      %sign3A_98 = arith.extui %sign3A_97 : i1 to i32
      %sign3A_99 = arith.subi %sign3A_95, %sign3A_98 : i32
      %sign3A_100 = arith.constant 0 : i32
      %sign3A_101 = arith.cmpi sgt, %jit3A_91, %sign3A_100 : i32
      %sign3A_102 = arith.extui %sign3A_101 : i1 to i32
      %sign3A_103 = arith.constant 0 : i32
      %sign3A_104 = arith.cmpi slt, %jit3A_91, %sign3A_103 : i32
      %sign3A_105 = arith.extui %sign3A_104 : i1 to i32
      %sign3A_106 = arith.subi %sign3A_102, %sign3A_105 : i32
      %ne3A_107 = arith.cmpi ne, %sign3A_99, %sign3A_106 : i32
      %rem3A_108 = arith.remsi %add3A_85, %jit3A_91 : i32
      %ne3A_109 = arith.constant 0 : i32
      %ne3A_110 = arith.cmpi ne, %rem3A_108, %ne3A_109 : i32
      %and3A_111 = arith.andi %ne3A_107, %ne3A_110 : i1
      %sub3A_112 = arith.constant 1 : i32
      %sub3A_113 = arith.subi %div3A_92, %sub3A_112 : i32
      %select_n3A_114 = arith.select %and3A_111, %sub3A_113, %div3A_92 : i32
      %jit3A_115 = arith.constant 4 : i32
      %eq3A_116 = arith.constant 0 : i32
      %eq3A_117 = arith.cmpi eq, %jit3A_115, %eq3A_116 : i32
      %jit3A_118 = arith.constant 1 : i32
      %select_n3A_119 = arith.select %eq3A_117, %jit3A_118, %jit3A_115 : i32
      %rem3A_120 = arith.remsi %add3A_85, %select_n3A_119 : i32
      %ne3A_121 = arith.constant 0 : i32
      %ne3A_122 = arith.cmpi ne, %rem3A_120, %ne3A_121 : i32
      %lt3A_123 = arith.constant 0 : i32
      %lt3A_124 = arith.cmpi slt, %rem3A_120, %lt3A_123 : i32
      %lt3A_125 = arith.constant 0 : i32
      %lt3A_126 = arith.cmpi slt, %select_n3A_119, %lt3A_125 : i32
      %ne3A_127 = arith.xori %lt3A_124, %lt3A_126 : i1
      %and3A_128 = arith.andi %ne3A_127, %ne3A_122 : i1
      %add3A_129 = arith.addi %rem3A_120, %select_n3A_119 : i32
      %select_n3A_130 = arith.select %and3A_128, %add3A_129, %rem3A_120 : i32
      %mul3A_131 = arith.constant 16 : i32
      %mul3A_132 = arith.muli %select_n3A_30, %mul3A_131 : i32
      %add3A_133 = arith.addi %mul3A_132, %select_n3A_114 : i32
      %mul3A_134 = arith.constant 16 : i32
      %mul3A_135 = arith.muli %add3A_133, %mul3A_134 : i32
      %add3A_136 = arith.addi %mul3A_135, %select_n3A : i32
      %mul3A_137 = arith.constant 32 : i32
      %mul3A_138 = arith.muli %select_n3A_130, %mul3A_137 : i32
      %dma_wait3A_139 = arith.constant 0 : i32
      %dma_wait3A_140 = tpu.memref_slice %arg2[%add3A_136, %mul3A_138, %dma_wait3A_139] : memref<512x128x512xf32, #tpu.memory_space<hbm>> -> memref<1x32x512xf32, #tpu.memory_space<hbm>>
      %dma_wait3A_141 = tpu.memref_squeeze %dma_wait3A_140 : memref<1x32x512xf32, #tpu.memory_space<hbm>> -> memref<32x512xf32, #tpu.memory_space<hbm>>
      %dma_wait3A_142 = arith.constant 0 : i32
      %dma_wait3A_143 = tpu.memref_slice %arg2[%add3A_136, %mul3A_138, %dma_wait3A_142] : memref<512x128x512xf32, #tpu.memory_space<hbm>> -> memref<1x32x512xf32, #tpu.memory_space<hbm>>
      %dma_wait3A_144 = tpu.memref_squeeze %dma_wait3A_143 : memref<1x32x512xf32, #tpu.memory_space<hbm>> -> memref<32x512xf32, #tpu.memory_space<hbm>>
      tpu.wait_dma2 semaphore(%arg10 : memref<!tpu.dma_semaphore, #tpu.memory_space<semaphore_mem>>) src(%dma_wait3A_144 : memref<32x512xf32, #tpu.memory_space<hbm>>) dst(%arg6 : memref<32x512xf32, #tpu.memory_space<vmem>>)
      %ge3A = arith.constant 2 : i32
      %ge3A_145 = arith.cmpi sge, %add3A_85, %ge3A : i32
      %convert_element_type3A_146 = arith.extui %ge3A_145 : i1 to i32
      %cond3A_147 = arith.constant 0 : i32
      %cond3A_148 = arith.cmpi ne, %convert_element_type3A_146, %cond3A_147 : i32
      scf.if %cond3A_148 {
        %sub3A_333 = arith.constant 2 : i32
        %sub3A_334 = arith.subi %add3A_85, %sub3A_333 : i32
        %jit3A_335 = arith.constant 4 : i32
        %div3A_336 = arith.divsi %sub3A_334, %jit3A_335 : i32
        %sign3A_337 = arith.constant 0 : i32
        %sign3A_338 = arith.cmpi sgt, %sub3A_334, %sign3A_337 : i32
        %sign3A_339 = arith.extui %sign3A_338 : i1 to i32
        %sign3A_340 = arith.constant 0 : i32
        %sign3A_341 = arith.cmpi slt, %sub3A_334, %sign3A_340 : i32
        %sign3A_342 = arith.extui %sign3A_341 : i1 to i32
        %sign3A_343 = arith.subi %sign3A_339, %sign3A_342 : i32
        %sign3A_344 = arith.constant 0 : i32
        %sign3A_345 = arith.cmpi sgt, %jit3A_335, %sign3A_344 : i32
        %sign3A_346 = arith.extui %sign3A_345 : i1 to i32
        %sign3A_347 = arith.constant 0 : i32
        %sign3A_348 = arith.cmpi slt, %jit3A_335, %sign3A_347 : i32
        %sign3A_349 = arith.extui %sign3A_348 : i1 to i32
        %sign3A_350 = arith.subi %sign3A_346, %sign3A_349 : i32
        %ne3A_351 = arith.cmpi ne, %sign3A_343, %sign3A_350 : i32
        %rem3A_352 = arith.remsi %sub3A_334, %jit3A_335 : i32
        %ne3A_353 = arith.constant 0 : i32
        %ne3A_354 = arith.cmpi ne, %rem3A_352, %ne3A_353 : i32
        %and3A_355 = arith.andi %ne3A_351, %ne3A_354 : i1
        %sub3A_356 = arith.constant 1 : i32
        %sub3A_357 = arith.subi %div3A_336, %sub3A_356 : i32
        %select_n3A_358 = arith.select %and3A_355, %sub3A_357, %div3A_336 : i32
        %jit3A_359 = arith.constant 4 : i32
        %eq3A_360 = arith.constant 0 : i32
        %eq3A_361 = arith.cmpi eq, %jit3A_359, %eq3A_360 : i32
        %jit3A_362 = arith.constant 1 : i32
        %select_n3A_363 = arith.select %eq3A_361, %jit3A_362, %jit3A_359 : i32
        %rem3A_364 = arith.remsi %sub3A_334, %select_n3A_363 : i32
        %ne3A_365 = arith.constant 0 : i32
        %ne3A_366 = arith.cmpi ne, %rem3A_364, %ne3A_365 : i32
        %lt3A_367 = arith.constant 0 : i32
        %lt3A_368 = arith.cmpi slt, %rem3A_364, %lt3A_367 : i32
        %lt3A_369 = arith.constant 0 : i32
        %lt3A_370 = arith.cmpi slt, %select_n3A_363, %lt3A_369 : i32
        %ne3A_371 = arith.xori %lt3A_368, %lt3A_370 : i1
        %and3A_372 = arith.andi %ne3A_371, %ne3A_366 : i1
        %add3A_373 = arith.addi %rem3A_364, %select_n3A_363 : i32
        %select_n3A_374 = arith.select %and3A_372, %add3A_373, %rem3A_364 : i32
        %mul3A_375 = arith.constant 16 : i32
        %mul3A_376 = arith.muli %select_n3A_30, %mul3A_375 : i32
        %add3A_377 = arith.addi %mul3A_376, %select_n3A_358 : i32
        %mul3A_378 = arith.constant 16 : i32
        %mul3A_379 = arith.muli %add3A_377, %mul3A_378 : i32
        %add3A_380 = arith.addi %mul3A_379, %select_n3A : i32
        %mul3A_381 = arith.constant 32 : i32
        %mul3A_382 = arith.muli %select_n3A_374, %mul3A_381 : i32
        %dma_wait3A_383 = arith.constant 0 : i32
        %dma_wait3A_384 = tpu.memref_slice %arg4[%add3A_380, %mul3A_382, %dma_wait3A_383] : memref<512x128x512xf32, #tpu.memory_space<hbm>> -> memref<1x32x512xf32, #tpu.memory_space<hbm>>
        %dma_wait3A_385 = tpu.memref_squeeze %dma_wait3A_384 : memref<1x32x512xf32, #tpu.memory_space<hbm>> -> memref<32x512xf32, #tpu.memory_space<hbm>>
        %dma_wait3A_386 = arith.constant 0 : i32
        %dma_wait3A_387 = tpu.memref_slice %arg4[%add3A_380, %mul3A_382, %dma_wait3A_386] : memref<512x128x512xf32, #tpu.memory_space<hbm>> -> memref<1x32x512xf32, #tpu.memory_space<hbm>>
        %dma_wait3A_388 = tpu.memref_squeeze %dma_wait3A_387 : memref<1x32x512xf32, #tpu.memory_space<hbm>> -> memref<32x512xf32, #tpu.memory_space<hbm>>
        tpu.wait_dma2 semaphore(%arg12 : memref<!tpu.dma_semaphore, #tpu.memory_space<semaphore_mem>>) src(%arg8 : memref<32x512xf32, #tpu.memory_space<vmem>>) dst(%dma_wait3A_388 : memref<32x512xf32, #tpu.memory_space<hbm>>)
      } else {
      }
      %parallel_loop3A = arith.constant 0 : i32
      %parallel_loop3A_149 = arith.constant 32 : i32
      %parallel_loop3A_150 = arith.constant 1 : i32
      scf.for %parallel_loop3A_333 = %parallel_loop3A to %parallel_loop3A_149 step %parallel_loop3A_150  : i32 {
        %parallel_loop3A_334 = arith.constant 16 : i32
        %parallel_loop3A_335 = arith.muli %parallel_loop3A_333, %parallel_loop3A_334 : i32
        %parallel_loop3A_336 = arith.index_cast %parallel_loop3A_335 : i32 to index
        %parallel_loop3A_337 = tpu.vector_load %arg5[%parallel_loop3A_336] {strides = array<i32>} : memref<512xi32, #tpu.memory_space<vmem>>, vector<16xi32>,
        %parallel_loop3A_338 = arith.constant 0 : i32
        %parallel_loop3A_339 = arith.constant 32 : i32
        %parallel_loop3A_340 = arith.constant 1 : i32
        scf.for %parallel_loop3A_341 = %parallel_loop3A_338 to %parallel_loop3A_339 step %parallel_loop3A_340  : i32 {
          %parallel_loop3A_342 = vector.broadcast %parallel_loop3A_341 : i32 to vector<16xi32>
          %parallel_loop3A_343 = tpu.vector_load_idx %arg6[%parallel_loop3A_342, %parallel_loop3A_337] : memref<32x512xf32, #tpu.memory_space<vmem>>[vector<16xi32>, vector<16xi32>], vector<16xf32>,
          %parallel_loop3A_344 = arith.constant 16 : i32
          %parallel_loop3A_345 = arith.muli %parallel_loop3A_333, %parallel_loop3A_344 : i32
          %parallel_loop3A_346 = arith.index_cast %parallel_loop3A_341 : i32 to index
          %parallel_loop3A_347 = arith.index_cast %parallel_loop3A_345 : i32 to index
          %parallel_loop3A_348 = tpu.vector_load %arg8[%parallel_loop3A_346, %parallel_loop3A_347] {strides = array<i32>} : memref<32x512xf32, #tpu.memory_space<vmem>>, vector<16xf32>,
          tpu.vector_store %arg8[%parallel_loop3A_346, %parallel_loop3A_347], %parallel_loop3A_343 {strides = array<i32>} : memref<32x512xf32, #tpu.memory_space<vmem>>, vector<16xf32>,
        } {sc.loop_unroll_factor = 8 : i64, sc.parallel_access}
      } {sc.loop_unroll_factor = 8 : i64, sc.parallel_access}
      %jit3A_151 = arith.constant 4 : i32
      %div3A_152 = arith.divsi %add3A_85, %jit3A_151 : i32
      %sign3A_153 = arith.constant 0 : i32
      %sign3A_154 = arith.cmpi sgt, %add3A_85, %sign3A_153 : i32
      %sign3A_155 = arith.extui %sign3A_154 : i1 to i32
      %sign3A_156 = arith.constant 0 : i32
      %sign3A_157 = arith.cmpi slt, %add3A_85, %sign3A_156 : i32
      %sign3A_158 = arith.extui %sign3A_157 : i1 to i32
      %sign3A_159 = arith.subi %sign3A_155, %sign3A_158 : i32
      %sign3A_160 = arith.constant 0 : i32
      %sign3A_161 = arith.cmpi sgt, %jit3A_151, %sign3A_160 : i32
      %sign3A_162 = arith.extui %sign3A_161 : i1 to i32
      %sign3A_163 = arith.constant 0 : i32
      %sign3A_164 = arith.cmpi slt, %jit3A_151, %sign3A_163 : i32
      %sign3A_165 = arith.extui %sign3A_164 : i1 to i32
      %sign3A_166 = arith.subi %sign3A_162, %sign3A_165 : i32
      %ne3A_167 = arith.cmpi ne, %sign3A_159, %sign3A_166 : i32
      %rem3A_168 = arith.remsi %add3A_85, %jit3A_151 : i32
      %ne3A_169 = arith.constant 0 : i32
      %ne3A_170 = arith.cmpi ne, %rem3A_168, %ne3A_169 : i32
      %and3A_171 = arith.andi %ne3A_167, %ne3A_170 : i1
      %sub3A_172 = arith.constant 1 : i32
      %sub3A_173 = arith.subi %div3A_152, %sub3A_172 : i32
      %select_n3A_174 = arith.select %and3A_171, %sub3A_173, %div3A_152 : i32
      %jit3A_175 = arith.constant 4 : i32
      %eq3A_176 = arith.constant 0 : i32
      %eq3A_177 = arith.cmpi eq, %jit3A_175, %eq3A_176 : i32
      %jit3A_178 = arith.constant 1 : i32
      %select_n3A_179 = arith.select %eq3A_177, %jit3A_178, %jit3A_175 : i32
      %rem3A_180 = arith.remsi %add3A_85, %select_n3A_179 : i32
      %ne3A_181 = arith.constant 0 : i32
      %ne3A_182 = arith.cmpi ne, %rem3A_180, %ne3A_181 : i32
      %lt3A_183 = arith.constant 0 : i32
      %lt3A_184 = arith.cmpi slt, %rem3A_180, %lt3A_183 : i32
      %lt3A_185 = arith.constant 0 : i32
      %lt3A_186 = arith.cmpi slt, %select_n3A_179, %lt3A_185 : i32
      %ne3A_187 = arith.xori %lt3A_184, %lt3A_186 : i1
      %and3A_188 = arith.andi %ne3A_187, %ne3A_182 : i1
      %add3A_189 = arith.addi %rem3A_180, %select_n3A_179 : i32
      %select_n3A_190 = arith.select %and3A_188, %add3A_189, %rem3A_180 : i32
      %mul3A_191 = arith.constant 16 : i32
      %mul3A_192 = arith.muli %select_n3A_30, %mul3A_191 : i32
      %add3A_193 = arith.addi %mul3A_192, %select_n3A_174 : i32
      %mul3A_194 = arith.constant 16 : i32
      %mul3A_195 = arith.muli %add3A_193, %mul3A_194 : i32
      %add3A_196 = arith.addi %mul3A_195, %select_n3A : i32
      %mul3A_197 = arith.constant 32 : i32
      %mul3A_198 = arith.muli %select_n3A_190, %mul3A_197 : i32
      %dma_start3A_199 = arith.constant 0 : i32
      %dma_start3A_200 = tpu.memref_slice %arg4[%add3A_196, %mul3A_198, %dma_start3A_199] : memref<512x128x512xf32, #tpu.memory_space<hbm>> -> memref<1x32x512xf32, #tpu.memory_space<hbm>>
      %dma_start3A_201 = tpu.memref_squeeze %dma_start3A_200 : memref<1x32x512xf32, #tpu.memory_space<hbm>> -> memref<32x512xf32, #tpu.memory_space<hbm>>
      %dma_start3A_202 = arith.constant 0 : i32
      %dma_start3A_203 = tpu.memref_slice %arg4[%add3A_196, %mul3A_198, %dma_start3A_202] : memref<512x128x512xf32, #tpu.memory_space<hbm>> -> memref<1x32x512xf32, #tpu.memory_space<hbm>>
      %dma_start3A_204 = tpu.memref_squeeze %dma_start3A_203 : memref<1x32x512xf32, #tpu.memory_space<hbm>> -> memref<32x512xf32, #tpu.memory_space<hbm>>
      tpu.enqueue_dma source(%arg8 : memref<32x512xf32, #tpu.memory_space<vmem>>) target(%dma_start3A_204 : memref<32x512xf32, #tpu.memory_space<hbm>>) target_semaphore(%arg12 : memref<!tpu.dma_semaphore, #tpu.memory_space<semaphore_mem>>)
      %mul3A_205 = arith.constant 2 : i32
      %mul3A_206 = arith.muli %scan3A_80, %mul3A_205 : i32
      %add3A_207 = arith.constant 1 : i32
      %add3A_208 = arith.addi %mul3A_206, %add3A_207 : i32
      %add3A_209 = arith.constant 1 : i32
      %add3A_210 = arith.addi %add3A_208, %add3A_209 : i32
      %lt3A_211 = arith.constant 64 : i32
      %lt3A_212 = arith.cmpi slt, %add3A_210, %lt3A_211 : i32
      %convert_element_type3A_213 = arith.extui %lt3A_212 : i1 to i32
      %cond3A_214 = arith.constant 0 : i32
      %cond3A_215 = arith.cmpi ne, %convert_element_type3A_213, %cond3A_214 : i32
      scf.if %cond3A_215 {
        %add3A_333 = arith.constant 1 : i32
        %add3A_334 = arith.addi %add3A_208, %add3A_333 : i32
        %jit3A_335 = arith.constant 4 : i32
        %div3A_336 = arith.divsi %add3A_334, %jit3A_335 : i32
        %sign3A_337 = arith.constant 0 : i32
        %sign3A_338 = arith.cmpi sgt, %add3A_334, %sign3A_337 : i32
        %sign3A_339 = arith.extui %sign3A_338 : i1 to i32
        %sign3A_340 = arith.constant 0 : i32
        %sign3A_341 = arith.cmpi slt, %add3A_334, %sign3A_340 : i32
        %sign3A_342 = arith.extui %sign3A_341 : i1 to i32
        %sign3A_343 = arith.subi %sign3A_339, %sign3A_342 : i32
        %sign3A_344 = arith.constant 0 : i32
        %sign3A_345 = arith.cmpi sgt, %jit3A_335, %sign3A_344 : i32
        %sign3A_346 = arith.extui %sign3A_345 : i1 to i32
        %sign3A_347 = arith.constant 0 : i32
        %sign3A_348 = arith.cmpi slt, %jit3A_335, %sign3A_347 : i32
        %sign3A_349 = arith.extui %sign3A_348 : i1 to i32
        %sign3A_350 = arith.subi %sign3A_346, %sign3A_349 : i32
        %ne3A_351 = arith.cmpi ne, %sign3A_343, %sign3A_350 : i32
        %rem3A_352 = arith.remsi %add3A_334, %jit3A_335 : i32
        %ne3A_353 = arith.constant 0 : i32
        %ne3A_354 = arith.cmpi ne, %rem3A_352, %ne3A_353 : i32
        %and3A_355 = arith.andi %ne3A_351, %ne3A_354 : i1
        %sub3A_356 = arith.constant 1 : i32
        %sub3A_357 = arith.subi %div3A_336, %sub3A_356 : i32
        %select_n3A_358 = arith.select %and3A_355, %sub3A_357, %div3A_336 : i32
        %jit3A_359 = arith.constant 4 : i32
        %eq3A_360 = arith.constant 0 : i32
        %eq3A_361 = arith.cmpi eq, %jit3A_359, %eq3A_360 : i32
        %jit3A_362 = arith.constant 1 : i32
        %select_n3A_363 = arith.select %eq3A_361, %jit3A_362, %jit3A_359 : i32
        %rem3A_364 = arith.remsi %add3A_334, %select_n3A_363 : i32
        %ne3A_365 = arith.constant 0 : i32
        %ne3A_366 = arith.cmpi ne, %rem3A_364, %ne3A_365 : i32
        %lt3A_367 = arith.constant 0 : i32
        %lt3A_368 = arith.cmpi slt, %rem3A_364, %lt3A_367 : i32
        %lt3A_369 = arith.constant 0 : i32
        %lt3A_370 = arith.cmpi slt, %select_n3A_363, %lt3A_369 : i32
        %ne3A_371 = arith.xori %lt3A_368, %lt3A_370 : i1
        %and3A_372 = arith.andi %ne3A_371, %ne3A_366 : i1
        %add3A_373 = arith.addi %rem3A_364, %select_n3A_363 : i32
        %select_n3A_374 = arith.select %and3A_372, %add3A_373, %rem3A_364 : i32
        %mul3A_375 = arith.constant 16 : i32
        %mul3A_376 = arith.muli %select_n3A_30, %mul3A_375 : i32
        %add3A_377 = arith.addi %mul3A_376, %select_n3A_358 : i32
        %mul3A_378 = arith.constant 16 : i32
        %mul3A_379 = arith.muli %add3A_377, %mul3A_378 : i32
        %add3A_380 = arith.addi %mul3A_379, %select_n3A : i32
        %mul3A_381 = arith.constant 32 : i32
        %mul3A_382 = arith.muli %select_n3A_374, %mul3A_381 : i32
        %dma_start3A_383 = arith.constant 0 : i32
        %dma_start3A_384 = tpu.memref_slice %arg2[%add3A_380, %mul3A_382, %dma_start3A_383] : memref<512x128x512xf32, #tpu.memory_space<hbm>> -> memref<1x32x512xf32, #tpu.memory_space<hbm>>
        %dma_start3A_385 = tpu.memref_squeeze %dma_start3A_384 : memref<1x32x512xf32, #tpu.memory_space<hbm>> -> memref<32x512xf32, #tpu.memory_space<hbm>>
        %dma_start3A_386 = arith.constant 0 : i32
        %dma_start3A_387 = tpu.memref_slice %arg2[%add3A_380, %mul3A_382, %dma_start3A_386] : memref<512x128x512xf32, #tpu.memory_space<hbm>> -> memref<1x32x512xf32, #tpu.memory_space<hbm>>
        %dma_start3A_388 = tpu.memref_squeeze %dma_start3A_387 : memref<1x32x512xf32, #tpu.memory_space<hbm>> -> memref<32x512xf32, #tpu.memory_space<hbm>>
        tpu.enqueue_dma source(%dma_start3A_388 : memref<32x512xf32, #tpu.memory_space<hbm>>) target(%arg6 : memref<32x512xf32, #tpu.memory_space<vmem>>) target_semaphore(%arg10 : memref<!tpu.dma_semaphore, #tpu.memory_space<semaphore_mem>>)
      } else {
      }
      %jit3A_216 = arith.constant 4 : i32
      %div3A_217 = arith.divsi %add3A_208, %jit3A_216 : i32
      %sign3A_218 = arith.constant 0 : i32
      %sign3A_219 = arith.cmpi sgt, %add3A_208, %sign3A_218 : i32
      %sign3A_220 = arith.extui %sign3A_219 : i1 to i32
      %sign3A_221 = arith.constant 0 : i32
      %sign3A_222 = arith.cmpi slt, %add3A_208, %sign3A_221 : i32
      %sign3A_223 = arith.extui %sign3A_222 : i1 to i32
      %sign3A_224 = arith.subi %sign3A_220, %sign3A_223 : i32
      %sign3A_225 = arith.constant 0 : i32
      %sign3A_226 = arith.cmpi sgt, %jit3A_216, %sign3A_225 : i32
      %sign3A_227 = arith.extui %sign3A_226 : i1 to i32
      %sign3A_228 = arith.constant 0 : i32
      %sign3A_229 = arith.cmpi slt, %jit3A_216, %sign3A_228 : i32
      %sign3A_230 = arith.extui %sign3A_229 : i1 to i32
      %sign3A_231 = arith.subi %sign3A_227, %sign3A_230 : i32
      %ne3A_232 = arith.cmpi ne, %sign3A_224, %sign3A_231 : i32
      %rem3A_233 = arith.remsi %add3A_208, %jit3A_216 : i32
      %ne3A_234 = arith.constant 0 : i32
      %ne3A_235 = arith.cmpi ne, %rem3A_233, %ne3A_234 : i32
      %and3A_236 = arith.andi %ne3A_232, %ne3A_235 : i1
      %sub3A_237 = arith.constant 1 : i32
      %sub3A_238 = arith.subi %div3A_217, %sub3A_237 : i32
      %select_n3A_239 = arith.select %and3A_236, %sub3A_238, %div3A_217 : i32
      %jit3A_240 = arith.constant 4 : i32
      %eq3A_241 = arith.constant 0 : i32
      %eq3A_242 = arith.cmpi eq, %jit3A_240, %eq3A_241 : i32
      %jit3A_243 = arith.constant 1 : i32
      %select_n3A_244 = arith.select %eq3A_242, %jit3A_243, %jit3A_240 : i32
      %rem3A_245 = arith.remsi %add3A_208, %select_n3A_244 : i32
      %ne3A_246 = arith.constant 0 : i32
      %ne3A_247 = arith.cmpi ne, %rem3A_245, %ne3A_246 : i32
      %lt3A_248 = arith.constant 0 : i32
      %lt3A_249 = arith.cmpi slt, %rem3A_245, %lt3A_248 : i32
      %lt3A_250 = arith.constant 0 : i32
      %lt3A_251 = arith.cmpi slt, %select_n3A_244, %lt3A_250 : i32
      %ne3A_252 = arith.xori %lt3A_249, %lt3A_251 : i1
      %and3A_253 = arith.andi %ne3A_252, %ne3A_247 : i1
      %add3A_254 = arith.addi %rem3A_245, %select_n3A_244 : i32
      %select_n3A_255 = arith.select %and3A_253, %add3A_254, %rem3A_245 : i32
      %mul3A_256 = arith.constant 16 : i32
      %mul3A_257 = arith.muli %select_n3A_30, %mul3A_256 : i32
      %add3A_258 = arith.addi %mul3A_257, %select_n3A_239 : i32
      %mul3A_259 = arith.constant 16 : i32
      %mul3A_260 = arith.muli %add3A_258, %mul3A_259 : i32
      %add3A_261 = arith.addi %mul3A_260, %select_n3A : i32
      %mul3A_262 = arith.constant 32 : i32
      %mul3A_263 = arith.muli %select_n3A_255, %mul3A_262 : i32
      %dma_wait3A_264 = arith.constant 0 : i32
      %dma_wait3A_265 = tpu.memref_slice %arg2[%add3A_261, %mul3A_263, %dma_wait3A_264] : memref<512x128x512xf32, #tpu.memory_space<hbm>> -> memref<1x32x512xf32, #tpu.memory_space<hbm>>
      %dma_wait3A_266 = tpu.memref_squeeze %dma_wait3A_265 : memref<1x32x512xf32, #tpu.memory_space<hbm>> -> memref<32x512xf32, #tpu.memory_space<hbm>>
      %dma_wait3A_267 = arith.constant 0 : i32
      %dma_wait3A_268 = tpu.memref_slice %arg2[%add3A_261, %mul3A_263, %dma_wait3A_267] : memref<512x128x512xf32, #tpu.memory_space<hbm>> -> memref<1x32x512xf32, #tpu.memory_space<hbm>>
      %dma_wait3A_269 = tpu.memref_squeeze %dma_wait3A_268 : memref<1x32x512xf32, #tpu.memory_space<hbm>> -> memref<32x512xf32, #tpu.memory_space<hbm>>
      tpu.wait_dma2 semaphore(%arg11 : memref<!tpu.dma_semaphore, #tpu.memory_space<semaphore_mem>>) src(%dma_wait3A_269 : memref<32x512xf32, #tpu.memory_space<hbm>>) dst(%arg7 : memref<32x512xf32, #tpu.memory_space<vmem>>)
      %ge3A_270 = arith.constant 2 : i32
      %ge3A_271 = arith.cmpi sge, %add3A_208, %ge3A_270 : i32
      %convert_element_type3A_272 = arith.extui %ge3A_271 : i1 to i32
      %cond3A_273 = arith.constant 0 : i32
      %cond3A_274 = arith.cmpi ne, %convert_element_type3A_272, %cond3A_273 : i32
      scf.if %cond3A_274 {
        %sub3A_333 = arith.constant 2 : i32
        %sub3A_334 = arith.subi %add3A_208, %sub3A_333 : i32
        %jit3A_335 = arith.constant 4 : i32
        %div3A_336 = arith.divsi %sub3A_334, %jit3A_335 : i32
        %sign3A_337 = arith.constant 0 : i32
        %sign3A_338 = arith.cmpi sgt, %sub3A_334, %sign3A_337 : i32
        %sign3A_339 = arith.extui %sign3A_338 : i1 to i32
        %sign3A_340 = arith.constant 0 : i32
        %sign3A_341 = arith.cmpi slt, %sub3A_334, %sign3A_340 : i32
        %sign3A_342 = arith.extui %sign3A_341 : i1 to i32
        %sign3A_343 = arith.subi %sign3A_339, %sign3A_342 : i32
        %sign3A_344 = arith.constant 0 : i32
        %sign3A_345 = arith.cmpi sgt, %jit3A_335, %sign3A_344 : i32
        %sign3A_346 = arith.extui %sign3A_345 : i1 to i32
        %sign3A_347 = arith.constant 0 : i32
        %sign3A_348 = arith.cmpi slt, %jit3A_335, %sign3A_347 : i32
        %sign3A_349 = arith.extui %sign3A_348 : i1 to i32
        %sign3A_350 = arith.subi %sign3A_346, %sign3A_349 : i32
        %ne3A_351 = arith.cmpi ne, %sign3A_343, %sign3A_350 : i32
        %rem3A_352 = arith.remsi %sub3A_334, %jit3A_335 : i32
        %ne3A_353 = arith.constant 0 : i32
        %ne3A_354 = arith.cmpi ne, %rem3A_352, %ne3A_353 : i32
        %and3A_355 = arith.andi %ne3A_351, %ne3A_354 : i1
        %sub3A_356 = arith.constant 1 : i32
        %sub3A_357 = arith.subi %div3A_336, %sub3A_356 : i32
        %select_n3A_358 = arith.select %and3A_355, %sub3A_357, %div3A_336 : i32
        %jit3A_359 = arith.constant 4 : i32
        %eq3A_360 = arith.constant 0 : i32
        %eq3A_361 = arith.cmpi eq, %jit3A_359, %eq3A_360 : i32
        %jit3A_362 = arith.constant 1 : i32
        %select_n3A_363 = arith.select %eq3A_361, %jit3A_362, %jit3A_359 : i32
        %rem3A_364 = arith.remsi %sub3A_334, %select_n3A_363 : i32
        %ne3A_365 = arith.constant 0 : i32
        %ne3A_366 = arith.cmpi ne, %rem3A_364, %ne3A_365 : i32
        %lt3A_367 = arith.constant 0 : i32
        %lt3A_368 = arith.cmpi slt, %rem3A_364, %lt3A_367 : i32
        %lt3A_369 = arith.constant 0 : i32
        %lt3A_370 = arith.cmpi slt, %select_n3A_363, %lt3A_369 : i32
        %ne3A_371 = arith.xori %lt3A_368, %lt3A_370 : i1
        %and3A_372 = arith.andi %ne3A_371, %ne3A_366 : i1
        %add3A_373 = arith.addi %rem3A_364, %select_n3A_363 : i32
        %select_n3A_374 = arith.select %and3A_372, %add3A_373, %rem3A_364 : i32
        %mul3A_375 = arith.constant 16 : i32
        %mul3A_376 = arith.muli %select_n3A_30, %mul3A_375 : i32
        %add3A_377 = arith.addi %mul3A_376, %select_n3A_358 : i32
        %mul3A_378 = arith.constant 16 : i32
        %mul3A_379 = arith.muli %add3A_377, %mul3A_378 : i32
        %add3A_380 = arith.addi %mul3A_379, %select_n3A : i32
        %mul3A_381 = arith.constant 32 : i32
        %mul3A_382 = arith.muli %select_n3A_374, %mul3A_381 : i32
        %dma_wait3A_383 = arith.constant 0 : i32
        %dma_wait3A_384 = tpu.memref_slice %arg4[%add3A_380, %mul3A_382, %dma_wait3A_383] : memref<512x128x512xf32, #tpu.memory_space<hbm>> -> memref<1x32x512xf32, #tpu.memory_space<hbm>>
        %dma_wait3A_385 = tpu.memref_squeeze %dma_wait3A_384 : memref<1x32x512xf32, #tpu.memory_space<hbm>> -> memref<32x512xf32, #tpu.memory_space<hbm>>
        %dma_wait3A_386 = arith.constant 0 : i32
        %dma_wait3A_387 = tpu.memref_slice %arg4[%add3A_380, %mul3A_382, %dma_wait3A_386] : memref<512x128x512xf32, #tpu.memory_space<hbm>> -> memref<1x32x512xf32, #tpu.memory_space<hbm>>
        %dma_wait3A_388 = tpu.memref_squeeze %dma_wait3A_387 : memref<1x32x512xf32, #tpu.memory_space<hbm>> -> memref<32x512xf32, #tpu.memory_space<hbm>>
        tpu.wait_dma2 semaphore(%arg13 : memref<!tpu.dma_semaphore, #tpu.memory_space<semaphore_mem>>) src(%arg9 : memref<32x512xf32, #tpu.memory_space<vmem>>) dst(%dma_wait3A_388 : memref<32x512xf32, #tpu.memory_space<hbm>>)
      } else {
      }
      %parallel_loop3A_275 = arith.constant 0 : i32
      %parallel_loop3A_276 = arith.constant 32 : i32
      %parallel_loop3A_277 = arith.constant 1 : i32
      scf.for %parallel_loop3A_333 = %parallel_loop3A_275 to %parallel_loop3A_276 step %parallel_loop3A_277  : i32 {
        %parallel_loop3A_334 = arith.constant 16 : i32
        %parallel_loop3A_335 = arith.muli %parallel_loop3A_333, %parallel_loop3A_334 : i32
        %parallel_loop3A_336 = arith.index_cast %parallel_loop3A_335 : i32 to index
        %parallel_loop3A_337 = tpu.vector_load %arg5[%parallel_loop3A_336] {strides = array<i32>} : memref<512xi32, #tpu.memory_space<vmem>>, vector<16xi32>,
        %parallel_loop3A_338 = arith.constant 0 : i32
        %parallel_loop3A_339 = arith.constant 32 : i32
        %parallel_loop3A_340 = arith.constant 1 : i32
        scf.for %parallel_loop3A_341 = %parallel_loop3A_338 to %parallel_loop3A_339 step %parallel_loop3A_340  : i32 {
          %parallel_loop3A_342 = vector.broadcast %parallel_loop3A_341 : i32 to vector<16xi32>
          %parallel_loop3A_343 = tpu.vector_load_idx %arg7[%parallel_loop3A_342, %parallel_loop3A_337] : memref<32x512xf32, #tpu.memory_space<vmem>>[vector<16xi32>, vector<16xi32>], vector<16xf32>,
          %parallel_loop3A_344 = arith.constant 16 : i32
          %parallel_loop3A_345 = arith.muli %parallel_loop3A_333, %parallel_loop3A_344 : i32
          %parallel_loop3A_346 = arith.index_cast %parallel_loop3A_341 : i32 to index
          %parallel_loop3A_347 = arith.index_cast %parallel_loop3A_345 : i32 to index
          %parallel_loop3A_348 = tpu.vector_load %arg9[%parallel_loop3A_346, %parallel_loop3A_347] {strides = array<i32>} : memref<32x512xf32, #tpu.memory_space<vmem>>, vector<16xf32>,
          tpu.vector_store %arg9[%parallel_loop3A_346, %parallel_loop3A_347], %parallel_loop3A_343 {strides = array<i32>} : memref<32x512xf32, #tpu.memory_space<vmem>>, vector<16xf32>,
        } {sc.loop_unroll_factor = 8 : i64, sc.parallel_access}
      } {sc.loop_unroll_factor = 8 : i64, sc.parallel_access}
      %jit3A_278 = arith.constant 4 : i32
      %div3A_279 = arith.divsi %add3A_208, %jit3A_278 : i32
      %sign3A_280 = arith.constant 0 : i32
      %sign3A_281 = arith.cmpi sgt, %add3A_208, %sign3A_280 : i32
      %sign3A_282 = arith.extui %sign3A_281 : i1 to i32
      %sign3A_283 = arith.constant 0 : i32
      %sign3A_284 = arith.cmpi slt, %add3A_208, %sign3A_283 : i32
      %sign3A_285 = arith.extui %sign3A_284 : i1 to i32
      %sign3A_286 = arith.subi %sign3A_282, %sign3A_285 : i32
      %sign3A_287 = arith.constant 0 : i32
      %sign3A_288 = arith.cmpi sgt, %jit3A_278, %sign3A_287 : i32
      %sign3A_289 = arith.extui %sign3A_288 : i1 to i32
      %sign3A_290 = arith.constant 0 : i32
      %sign3A_291 = arith.cmpi slt, %jit3A_278, %sign3A_290 : i32
      %sign3A_292 = arith.extui %sign3A_291 : i1 to i32
      %sign3A_293 = arith.subi %sign3A_289, %sign3A_292 : i32
      %ne3A_294 = arith.cmpi ne, %sign3A_286, %sign3A_293 : i32
      %rem3A_295 = arith.remsi %add3A_208, %jit3A_278 : i32
      %ne3A_296 = arith.constant 0 : i32
      %ne3A_297 = arith.cmpi ne, %rem3A_295, %ne3A_296 : i32
      %and3A_298 = arith.andi %ne3A_294, %ne3A_297 : i1
      %sub3A_299 = arith.constant 1 : i32
      %sub3A_300 = arith.subi %div3A_279, %sub3A_299 : i32
      %select_n3A_301 = arith.select %and3A_298, %sub3A_300, %div3A_279 : i32
      %jit3A_302 = arith.constant 4 : i32
      %eq3A_303 = arith.constant 0 : i32
      %eq3A_304 = arith.cmpi eq, %jit3A_302, %eq3A_303 : i32
      %jit3A_305 = arith.constant 1 : i32
      %select_n3A_306 = arith.select %eq3A_304, %jit3A_305, %jit3A_302 : i32
      %rem3A_307 = arith.remsi %add3A_208, %select_n3A_306 : i32
      %ne3A_308 = arith.constant 0 : i32
      %ne3A_309 = arith.cmpi ne, %rem3A_307, %ne3A_308 : i32
      %lt3A_310 = arith.constant 0 : i32
      %lt3A_311 = arith.cmpi slt, %rem3A_307, %lt3A_310 : i32
      %lt3A_312 = arith.constant 0 : i32
      %lt3A_313 = arith.cmpi slt, %select_n3A_306, %lt3A_312 : i32
      %ne3A_314 = arith.xori %lt3A_311, %lt3A_313 : i1
      %and3A_315 = arith.andi %ne3A_314, %ne3A_309 : i1
      %add3A_316 = arith.addi %rem3A_307, %select_n3A_306 : i32
      %select_n3A_317 = arith.select %and3A_315, %add3A_316, %rem3A_307 : i32
      %mul3A_318 = arith.constant 16 : i32
      %mul3A_319 = arith.muli %select_n3A_30, %mul3A_318 : i32
      %add3A_320 = arith.addi %mul3A_319, %select_n3A_301 : i32
      %mul3A_321 = arith.constant 16 : i32
      %mul3A_322 = arith.muli %add3A_320, %mul3A_321 : i32
      %add3A_323 = arith.addi %mul3A_322, %select_n3A : i32
      %mul3A_324 = arith.constant 32 : i32
      %mul3A_325 = arith.muli %select_n3A_317, %mul3A_324 : i32
      %dma_start3A_326 = arith.constant 0 : i32
      %dma_start3A_327 = tpu.memref_slice %arg4[%add3A_323, %mul3A_325, %dma_start3A_326] : memref<512x128x512xf32, #tpu.memory_space<hbm>> -> memref<1x32x512xf32, #tpu.memory_space<hbm>>
      %dma_start3A_328 = tpu.memref_squeeze %dma_start3A_327 : memref<1x32x512xf32, #tpu.memory_space<hbm>> -> memref<32x512xf32, #tpu.memory_space<hbm>>
      %dma_start3A_329 = arith.constant 0 : i32
      %dma_start3A_330 = tpu.memref_slice %arg4[%add3A_323, %mul3A_325, %dma_start3A_329] : memref<512x128x512xf32, #tpu.memory_space<hbm>> -> memref<1x32x512xf32, #tpu.memory_space<hbm>>
      %dma_start3A_331 = tpu.memref_squeeze %dma_start3A_330 : memref<1x32x512xf32, #tpu.memory_space<hbm>> -> memref<32x512xf32, #tpu.memory_space<hbm>>
      tpu.enqueue_dma source(%arg9 : memref<32x512xf32, #tpu.memory_space<vmem>>) target(%dma_start3A_331 : memref<32x512xf32, #tpu.memory_space<hbm>>) target_semaphore(%arg13 : memref<!tpu.dma_semaphore, #tpu.memory_space<semaphore_mem>>)
      %scan3A_332 = arith.constant 0 : i32
      scf.yield %scan3A_332 : i32
    }
    %scan3A_50 = arith.constant 32 : i32
    %mul3A_51 = arith.constant 16 : i32
    %mul3A_52 = arith.muli %select_n3A_30, %mul3A_51 : i32
    %add3A_53 = arith.constant 15 : i32
    %add3A_54 = arith.addi %mul3A_52, %add3A_53 : i32
    %mul3A_55 = arith.constant 16 : i32
    %mul3A_56 = arith.muli %add3A_54, %mul3A_55 : i32
    %add3A_57 = arith.addi %mul3A_56, %select_n3A : i32
    %dma_wait3A = arith.constant 64 : i32
    %dma_wait3A_58 = arith.constant 0 : i32
    %dma_wait3A_59 = tpu.memref_slice %arg4[%add3A_57, %dma_wait3A, %dma_wait3A_58] : memref<512x128x512xf32, #tpu.memory_space<hbm>> -> memref<1x32x512xf32, #tpu.memory_space<hbm>>
    %dma_wait3A_60 = tpu.memref_squeeze %dma_wait3A_59 : memref<1x32x512xf32, #tpu.memory_space<hbm>> -> memref<32x512xf32, #tpu.memory_space<hbm>>
    %dma_wait3A_61 = arith.constant 64 : i32
    %dma_wait3A_62 = arith.constant 0 : i32
    %dma_wait3A_63 = tpu.memref_slice %arg4[%add3A_57, %dma_wait3A_61, %dma_wait3A_62] : memref<512x128x512xf32, #tpu.memory_space<hbm>> -> memref<1x32x512xf32, #tpu.memory_space<hbm>>
    %dma_wait3A_64 = tpu.memref_squeeze %dma_wait3A_63 : memref<1x32x512xf32, #tpu.memory_space<hbm>> -> memref<32x512xf32, #tpu.memory_space<hbm>>
    tpu.wait_dma2 semaphore(%arg12 : memref<!tpu.dma_semaphore, #tpu.memory_space<semaphore_mem>>) src(%arg8 : memref<32x512xf32, #tpu.memory_space<vmem>>) dst(%dma_wait3A_64 : memref<32x512xf32, #tpu.memory_space<hbm>>)
    %mul3A_65 = arith.constant 16 : i32
    %mul3A_66 = arith.muli %select_n3A_30, %mul3A_65 : i32
    %add3A_67 = arith.constant 15 : i32
    %add3A_68 = arith.addi %mul3A_66, %add3A_67 : i32
    %mul3A_69 = arith.constant 16 : i32
    %mul3A_70 = arith.muli %add3A_68, %mul3A_69 : i32
    %add3A_71 = arith.addi %mul3A_70, %select_n3A : i32
    %dma_wait3A_72 = arith.constant 96 : i32
    %dma_wait3A_73 = arith.constant 0 : i32
    %dma_wait3A_74 = tpu.memref_slice %arg4[%add3A_71, %dma_wait3A_72, %dma_wait3A_73] : memref<512x128x512xf32, #tpu.memory_space<hbm>> -> memref<1x32x512xf32, #tpu.memory_space<hbm>>
    %dma_wait3A_75 = tpu.memref_squeeze %dma_wait3A_74 : memref<1x32x512xf32, #tpu.memory_space<hbm>> -> memref<32x512xf32, #tpu.memory_space<hbm>>
    %dma_wait3A_76 = arith.constant 96 : i32
    %dma_wait3A_77 = arith.constant 0 : i32
    %dma_wait3A_78 = tpu.memref_slice %arg4[%add3A_71, %dma_wait3A_76, %dma_wait3A_77] : memref<512x128x512xf32, #tpu.memory_space<hbm>> -> memref<1x32x512xf32, #tpu.memory_space<hbm>>
    %dma_wait3A_79 = tpu.memref_squeeze %dma_wait3A_78 : memref<1x32x512xf32, #tpu.memory_space<hbm>> -> memref<32x512xf32, #tpu.memory_space<hbm>>
    tpu.wait_dma2 semaphore(%arg13 : memref<!tpu.dma_semaphore, #tpu.memory_space<semaphore_mem>>) src(%arg9 : memref<32x512xf32, #tpu.memory_space<vmem>>) dst(%dma_wait3A_79 : memref<32x512xf32, #tpu.memory_space<hbm>>)
    return
  }
}

</mosaic_0001>

<sc_bundles>
// kernel: kernel.3.cloned.1.call-start
scs
__scs_entry_jumppad:
0x0: {  	(pc) =	sbr.rel $0x88, $3  }
0x1: {  	(tag) =	ssettag $0x0;
	lr =	simm.s32 $0x1  }
0x2: {  	[smem:$0x3F9F] =	sst lr;
	_ =	strace $0xD0000000  }
0x3: {  	_ = 	snop  }
0x4: {  	_ = 	snop  }
0x5: {  	_ = 	snop  }
0x6: {  	_ = 	snop  }
0x7: {  	_ = 	snop  }
__scs_overlays_trampoline_lowered:
0x8: {  	[smem:$0x3FAE] =	sst s0  }
0x9: {  	[smem:$0x3FAF] =	sst s1  }
0xa: {  	[smem:$0x3FB0] =	sst s2  }
0xb: {  	[smem:$0x3FB1] =	sst s3  }
0xc: {  	[smem:$0x3FB2] =	sst s4  }
0xd: {  	[smem:$0x3FB3] =	sst s5  }
0xe: {  	[smem:$0x3FB4] =	sst s6  }
0xf: {  	[smem:$0x3FB5] =	sst s7  }
0x10: {  	[smem:$0x3FB6] =	sst s8  }
0x11: {  	[smem:$0x3FB7] =	sst s9;
	s0 =	simm.s32 @!p0 $0x0  }
0x12: {  	s1 =	sld [smem:$0x3F9D];
	s0 =	simm.s32 @p0 $0x1  }
0x13: {  	[smem:$0x3FB8] =	sst s0;
	s0 =	simm.s32 @!p1 $0x0  }
0x14: {  	s2 =	sld [smem:$0x3F9C];
	s0 =	simm.s32 @p1 $0x1  }
0x15: {  	[smem:$0x3FB9] =	sst s0;
	s0 =	simm.s32 @!p2 $0x0  }
0x16: {  	s3 =	sld [smem:$0x3FDB];
	s0 =	simm.s32 @p2 $0x1  }
0x17: {  	s4 =	simm.s32 $0x1BF5;
	[smem:$0x3FBB] =	sst s0  }
0x18: {  	s0 =	sld [smem:$0x3F9E];
	_ =	swait.ge [sflag:s4], $0x0  }
0x19: {  	s7 =	sld [smem:$0x3F9F]  }
0x1a: {  	s8 =	sadd.s32 $0xFFFFE003, lr  }
0x1b: {  	s9 =	sadd.s32 $0xFFFFFEF7, lr;
	s5 =	simm.s32 $0xFFFFFFFF;
	p2 =	slt.u32 s8, $0xFFFFF086  }
0x1c: {  	p1 =	slt.u32 s9, $0xF7A;
	s5 =	simm.s32 @!p2 $0x0  }
0x1d: {  	s5 =	simm.s32 @p1 $0x1;
	p0 =	seq.s32 s7, s2  }
0x1e: {  	s7 =	smul.u32 @!p0 $0xF7A, s2;
	p2 =	seq.s32 @!p0 s5, $0x0  }
0x1f: {  	s9 =	smul.u32 $0xF7A, s1;
	s8 =	simm.s32 @!p0 $0x1BF5;
	p2 =	por !p2, p0  }
0x20: {  	[sflag:s8] =	ssyncset.s32 @!p0 $0xFFFFF086;
	s6 =	sadd.s32 @!p0 s3, s7;
	s7 =	simm.s32 @!p0 $0x108  }
0x21: {  	s3 =	sadd.s32 s3, s9;
	s6 =	sadd.s32 @!p0 $0x88, s6;
	s7 =	simm.s32 @p2 $0x1082  }
0x22: {  	[simem:s7], [sflag:s8] =	dma.local @!p0 [hbm:s6], $0xF7A  }
0x23: {  	s9 =	sor.u32 $0xD0000000, s2;
	s6 =	simm.s32 $0x108;
	_ =	swait.ge @!p0 [sflag:s8], $0x0  }
0x24: {  	s3 =	sadd.s32 $0x88, s3;
	s6 =	simm.s32 @!p1 $0x1082;
	[sflag:s4] =	ssyncset.s32 $0xFFFFF086  }
0x25: {  	[simem:s6], [sflag:s4] =	dma.local [hbm:s3], $0xF7A  }
0x26: {  	[smem:$0x3F9F] =	sst s1;
	(tag) =	ssettag s2;
	_ =	strace s9  }
0x27: {  	s1 =	sld [smem:$0x3FAF]  }
0x28: {  	s2 =	sld [smem:$0x3FB0]  }
0x29: {  	s4 =	sld [smem:$0x3FB2]  }
0x2a: {  	p0 =	seq.s32 s5, $0x0;
	s5 =	sld [smem:$0x3FB3]  }
0x2b: {  	s6 =	sld [smem:$0x3FB4]  }
0x2c: {  	s7 =	sld [smem:$0x3FB5]  }
0x2d: {  	s3 =	simm.s32 $0x108;
	s8 =	sld [smem:$0x3FB6]  }
0x2e: {  	s3 =	simm.s32 @!p0 $0x1082;
	s9 =	sld [smem:$0x3FB7]  }
0x2f: {  	lr =	sadd.s32 s0, s3;
	s0 =	sld [smem:$0x3FAE]  }
0x30: {  	s3 =	sld [smem:$0x3FB1]  }
0x31: {  	[smem:$0x3FBA] =	sst s10  }
0x32: {  	s10 =	sld [smem:$0x3FB8];
	_ =	sdelay $0x3  }
0x33: {  	p0 =	seq.s32 s10, $0x1;
	s10 =	sld [smem:$0x3FBA];
	_ =	sdelay $0x3  }
0x34: {  	[smem:$0x3FBA] =	sst s10  }
0x35: {  	s10 =	sld [smem:$0x3FB9];
	_ =	sdelay $0x3  }
0x36: {  	p1 =	seq.s32 s10, $0x1;
	s10 =	sld [smem:$0x3FBA];
	_ =	sdelay $0x3  }
0x37: {  	[smem:$0x3FBA] =	sst s10  }
0x38: {  	s10 =	sld [smem:$0x3FBB]  }
0x39: {  	_ = 	snop;
	(pc) =	sbr.ind lr, $3  }
0x3a: {  	_ = 	snop  }
0x3b: {  	_ = 	snop  }
0x3c: {  	p2 =	seq.s32 s10, $0x1;
	s10 =	sld [smem:$0x3FBA]  }
0x3d: {  	_ =	shalt  }
0x3e: {  	_ =	shalt  }
0x3f: {  	_ =	shalt  }
0x40: {  	_ =	shalt  }
0x41: {  	_ =	shalt  }
0x42: {  	_ =	shalt  }
0x43: {  	_ =	shalt  }
0x44: {  	_ =	shalt  }
0x45: {  	_ =	shalt  }
0x46: {  	_ =	shalt  }
0x47: {  	_ =	shalt  }
0x48: {  	_ =	shalt  }
0x49: {  	_ =	shalt  }
0x4a: {  	_ =	shalt  }
0x4b: {  	_ =	shalt  }
0x4c: {  	_ =	shalt  }
0x4d: {  	_ =	shalt  }
0x4e: {  	_ =	shalt  }
0x4f: {  	_ =	shalt  }
0x50: {  	_ =	shalt  }
0x51: {  	_ =	shalt  }
0x52: {  	_ =	shalt  }
0x53: {  	_ =	shalt  }
0x54: {  	_ =	shalt  }
0x55: {  	_ =	shalt  }
0x56: {  	_ =	shalt  }
0x57: {  	_ =	shalt  }
0x58: {  	_ =	shalt  }
0x59: {  	_ =	shalt  }
0x5a: {  	_ =	shalt  }
0x5b: {  	_ =	shalt  }
0x5c: {  	_ =	shalt  }
0x5d: {  	_ =	shalt  }
0x5e: {  	_ =	shalt  }
0x5f: {  	_ =	shalt  }
0x60: {  	_ =	shalt  }
0x61: {  	_ =	shalt  }
0x62: {  	_ =	shalt  }
0x63: {  	_ =	shalt  }
0x64: {  	_ =	shalt  }
0x65: {  	_ =	shalt  }
0x66: {  	_ =	shalt  }
0x67: {  	_ =	shalt  }
0x68: {  	_ =	shalt  }
0x69: {  	_ =	shalt  }
0x6a: {  	_ =	shalt  }
0x6b: {  	_ =	shalt  }
0x6c: {  	_ =	shalt  }
0x6d: {  	_ =	shalt  }
0x6e: {  	_ =	shalt  }
0x6f: {  	_ =	shalt  }
0x70: {  	_ =	shalt  }
0x71: {  	_ =	shalt  }
0x72: {  	_ =	shalt  }
0x73: {  	_ =	shalt  }
0x74: {  	_ =	shalt  }
0x75: {  	_ =	shalt  }
0x76: {  	_ =	shalt  }
0x77: {  	_ =	shalt  }
0x78: {  	_ =	shalt  }
0x79: {  	_ =	shalt  }
0x7a: {  	_ =	shalt  }
0x7b: {  	_ =	shalt  }
0x7c: {  	_ =	shalt  }
0x7d: {  	_ =	shalt  }
0x7e: {  	_ =	shalt  }
0x7f: {  	_ =	shalt  }
0x80: {  	_ =	shalt  }
0x81: {  	_ =	shalt  }
0x82: {  	_ =	shalt  }
0x83: {  	_ =	shalt  }
0x84: {  	_ =	shalt  }
0x85: {  	_ =	shalt  }
0x86: {  	_ =	shalt  }
0x87: {  	_ =	shalt  }
.Lfunc_end0:
.L_simem_size_0:
called_computation_lowered:
.L_overlay_start_0:
0x88: {  	s2 =	sld [smem:$0x3FD9]  }
0x89: {  	s3 =	sld [smem:$0x3FFE];
	_ =	sdelay $0x1  }
0x8a: {  	s1 =	srdreg.scid  }
0x8b: {  	s0 =	sand.u32 $0x1, s1  }
0x8c: {  	s17 =	sshll.u32 s0, $0xA;
	s2 =	sadd.s32 s3, s2  }
0x8d: {  	s2 =	sadd.s32 s2, s17  }
0x8e: {  	[smem:$0x3FC6] =	sst s2  }
0x8f: {  	_ = 	snop  }
0x90: {  	s2 =	sld [smem:$0x3FC9]  }
0x91: {  	s18 =	sld [smem:$0x3FD0];
	(tm) =	ssettm $0x1  }
0x92: {  	s4 =	sld [smem:$0x3FFB];
	_ =	sdelay $0x3  }
0x93: {  	_ =	strace s4  }
0x94: {  	s4 =	sld [smem:$0x3FFC];
	_ =	sdelay $0x3  }
0x95: {  	_ =	strace s4  }
0x96: {  	s4 =	sld [smem:$0x3FFD];
	_ =	sdelay $0x3  }
0x97: {  	_ =	strace s4  }
0x98: {  	_ =	strace $0x8FFFFFFF  }
0x99: {  	s19 =	sld [smem:$0x3FDB];
	_ =	sdelay $0x1  }
0x9a: {  	s5 =	simm.s32 $_scs_section_size  }
0x9b: {  	s6 =	simm.s32 $_size__tile_overlayer_lowered;
	s7 =	simm.s32 $_tile_overlayer_lowered  }
0x9c: {  	s22 =	simm.s32 $0x1BFF;
	s21 =	sshll.u32 s7, $0x1;
	s4 =	sadd.s32 s5, s19  }
0x9d: {  	s8 =	simm.s32 $0x0;
	s20 =	sshll.u32 s6, $0x1;
	s6 =	sadd.s32 s21, s4  }
0x9e: {  	[timem:s8], [sflag:s22] =	dma.local [hbm:s6], s20  }
0x9f: {  	_ =	swait.ge [sflag:s22], s20  }
0xa0: {  	s5 =	ssub.s32 $0x0, s20;
	[sflag:s22] =	ssyncset.done $0x0  }
0xa1: {  	[sflag:s22] =	ssyncadd.s32 s5;
	_ =	sdelay $0x1  }
0xa2: {  	s23 =	simm.s32 $0x1B8B  }
0xa3: {  	_ =	swait.ge [sflag:s23], $0x1  }
0xa4: {  	[sflag:s23] =	ssyncset.done $0x0  }
0xa5: {  	s25 =	simm.s32 $0x1B8E;
	s24 =	sld [smem:$0x3FFE];
	[sflag:s23] =	ssyncadd.s32 $0xFFFFFFFF  }
0xa6: {  	s26 =	simm.s32 $execute0_lowered;
	[smem:$0x3FD2] =	sst s25  }
0xa7: {  	s6 =	sshll.u32 s26, $0x1;
	_ =	strace $0x80000046;
	[dreg:$0x1] =	wrdreg $0xFFFFFFFF  }
0xa8: {  	s28 =	simm.s32 $_size_execute0_lowered;
	s4 =	sadd.s32 s4, s6;
	[dreg:$0x0] =	wrdreg $0x0  }
0xa9: {  	s6 =	sshll.u32 s28, $0x1;
	[dreg:$0x2] =	wrdreg s4  }
0xaa: {  	[dreg:$0x3] =	wrdreg s6  }
0xab: {  	[dreg:$0x4] =	wrdreg $0xC0  }
0xac: {  	_ =	task [dreg:s8], $0x5FFFF  }
0xad: {  	[dreg:$0x1] =	wrdreg $0xFFFFFFFF  }
0xae: {  	[dreg:$0x0] =	wrdreg $0x60  }
0xaf: {  	[dreg:$0x2] =	wrdreg s2  }
0xb0: {  	[dreg:$0x3] =	wrdreg s24  }
0xb1: {  	[dreg:$0x4] =	wrdreg s18  }
0xb2: {  	[dreg:$0x5] =	wrdreg $0x9  }
0xb3: {  	_ =	task.clear_ibuf [dreg:s8], $0x6FFFF;
	_ =	strace $0x90000046  }
0xb4: {  	s29 =	simm.s32 $0x9;
	_ =	strace $0x80000048  }
0xb5: {  	_ =	swait.ge [sflag:s29], $0x1  }
0xb6: {  	[sflag:s29] =	ssyncadd.s32 $0xFFFFFFFF  }
0xb7: {  	_ =	strace $0x90000048  }
0xb8: {  	_ =	sfence  }
0xb9: {  	s30 =	sld [smem:$0x0];
	_ =	sdelay $0x2  }
0xba: {  	s31 =	sshll.u32 s1, $0xD;
	s1 =	sshrl.u32 s1, $0x2  }
0xbb: {  	s3 =	sand.u32 $0x4000, s31;
	s1 =	sadd.s32 s1, s30  }
0xbc: {  	s0 =	sor.u32 s3, s0;
	s1 =	sshll.u32 s1, $0x11  }
0xbd: {  	s0 =	sor.u32 s1, s0  }
0xbe: {  	s0 =	sadd.s32 $0x8F2B, s0  }
0xbf: {  	[sflag:s0] =	ssyncadd.remote.s32 $0x1  }
0xc0: {  	_ =	sfence.sel $0xFFFF  }
0xc1: {  	[dreg:$0x0] =	wrdreg $0xFFFFFFFF;
	(pc) =	sbr.abs _section_cstart, $3  }
0xc2: {  	[dreg:$0x1] =	wrdreg $0xFFFFFFFF  }
0xc3: {  	_ =	task.clear_ibuf [dreg:s8], $0x2FFFF;
	_ =	strace $0x9FFFFFFF  }
0xc4: {  	(tm) =	ssettm $0x7FFFFFFF  }
0xc5: {  	_ =	shalt  }
tec
execute0_lowered:
.L_overlay_start_1:
0x0: {  	(tag) =	ssettag $0x1  }
0x1: {  	s0 =	srdreg.scid  }
0x2: {  	s5 =	stileid.u32;
	s2 =	rddreg [dreg:$0x1]  }
0x3: {  	s4 =	simm.s32 $0x1;
	s3 =	rddreg [dreg:$0x2];
	s0 =	sand.u32 $0x1, s0  }
0x4: {  	s15 =	simm.s32 $0x200;
	s16 =	simm.s32 $0x4200;
	s1 =	sor.u32 s0, s5  }
0x5: {  	s17 =	simm.s32 $0x8200;
	p1 =	seq.s32 s0, $0x1;
	p0 =	seq.s32 s1, $0x0  }
0x6: {  	s18 =	simm.s32 $0x2;
	s19 =	simm.s32 $0x4;
	p0 =	por !p0, !p1  }
0x7: {  	s20 =	simm.s32 $0xC200;
	s22 =	simm.s32 $0x0;
	p0 =	por !p0, !p0  }
0x8: {  	s9 =	ssub.s32 $0x2, s0;
	s11 =	sshll.u32 s0, $0x18;
	s4 =	simm.s32 @!p0 $0x0  }
0x9: {  	s30 =	sshll.u32 s0, $0x8;
	s1 =	rddreg [dreg:$0x0];
	s7 =	ssub.s32 s5, s4  }
0xa: {  	s10 =	sshrl.u32 s9, $0x1;
	s5 =	sshll.u32 s7, $0x9;
	s6 =	sshll.u32 s7, $0x7  }
0xb: {  	s26 =	ssub.s32 s9, s10;
	s5 =	sand.u32 $0xFFFFF000, s5;
	s6 =	sand.u32 $0x380, s6  }
0xc: {  	s31 =	smax.u32 s26, $0x1;
	s4 =	simm.s32 $0x0;
	s6 =	sor.u32 s6, s5  }
0xd: {  	[smem:$0x7FF] =	sst s4;
	s8 =	sshrl.u32 s6, $0x3;
	s6 =	sshll.u32 s7, $0x10  }
0xe: {  	_ =	strace $0x80000047;
	s2 =	sadd.s32 s8, s2;
	s28 =	sadd.s32 s11, s6  }
0xf: {  	[dreg:$0x6] =	wrdreg s31;
	s2 =	sadd.s32 $0xC00, s2;
	s29 =	sshrl.u32 s28, $0x3  }
0x10: {  	s10 =	sshll.u32 s0, $0x4;
	[dreg:$0x4] =	wrdreg s2;
	s2 =	sadd.s32 s1, s29  }
0x11: {  	s9 =	sadd.s32 s30, s7;
	s5 =	simm.s32 $0x1;
	[dreg:$0x5] =	wrdreg s2  }
.LBB2_1:
0x12: {  	s0 =	rddreg [dreg:$0x4]  }
0x13: {  	s2 =	simm.s32 $0x80;
	s7 =	simm.s32 $0x400;
	s30 =	simm.s32 $0x5  }
0x14: {  	[tilespmem:s4], [sflag:$0x5] =	stream.strided.gather [hbm4b:s0+s2], $0x200, s7, s2, $0x38;
	[tilespmem:$0x10200] =	vst v63  }
0x15: {  	_ =	swait.ge [sflag:s30], $0x200  }
0x16: {  	[sflag:s30] =	ssyncset.done $0x0  }
0x17: {  	s23 =	simm.s32 $0x0;
	s31 =	rddreg [dreg:$0x5];
	[sflag:s30] =	ssyncadd.s32 $0xFFFFFE00  }
0x18: {  	[tilespmem:s15], [sflag:$0x1] =	stream.linear.gather [hbm4b:s31+s4], $0x4000, $0x38;
	[tilespmem:$0x10200] =	vst v63  }
.LBB2_2:
0x19: {  	s0 =	sshll.u32 s23, $0x3  }
0x1a: {  	s2 =	sshll.u32 s23, $0xF;
	s0 =	sand.u32 $0xF0, s0  }
0x1b: {  	s26 =	sand.u32 $0x8000, s2;
	s0 =	sadd.s32 s0, s9  }
0x1c: {  	s24 =	sor.u32 $0x4000, s26;
	s0 =	sshll.u32 s0, $0x10  }
0x1d: {  	s0 =	sor.u32 s24, s0  }
0x1e: {  	s0 =	sshrl.u32 s0, $0x3  }
0x1f: {  	p0 =	seq.s32 s23, $0x0;
	s29 =	sshrl.u32 s23, $0x1;
	s0 =	sadd.s32 s1, s0  }
0x20: {  	[tilespmem:s16], [sflag:$0x2] =	stream.linear.gather [hbm4b:s0+s4], $0x4000, $0x38;
	[tilespmem:$0x10200] =	vst v63  }
0x21: {  	s28 =	sshll.u32 s23, $0x1;
	s8 =	simm.s32 $0x0;
	_ =	swait.ge [sflag:s5], $0x4000  }
0x22: {  	s21 =	simm.s32 $0x8400;
	s30 =	simm.s32 $0x8410;
	[sflag:s5] =	ssyncset.done $0x0  }
0x23: {  	s31 =	simm.s32 $0x8420;
	s0 =	simm.s32 @!p0 $0x3;
	[sflag:s5] =	ssyncadd.s32 $0xFFFFC000  }
0x24: {  	s12 =	simm.s32 $0x8450;
	s13 =	simm.s32 $0x8460;
	_ =	swait.ge @!p0 [sflag:s0], $0x4000  }
0x25: {  	s7 =	simm.s32 $0x8470;
	s25 =	sadd.s32 s10, s29;
	[sflag:s0] =	ssyncset.done @!p0 $0x0  }
0x26: {  	s2 =	simm.s32 $0x8430;
	[sflag:s0] =	ssyncadd.s32 @!p0 $0xFFFFC000;
	s0 =	simm.s32 $0x8440  }
.LBB2_3:
0x27: {  	s11 =	sshll.u32 s8, $0x4  }
0x28: {  	s11 =	sand.u32 $0x3FFFFFF0, s11  }
0x29: {  	v0 =	vld [tilespmem:s11+$0x0];
	_ =	sdelay $0x1  }
0x2a: {  	s14 =	simm.s32 $0x0  }
0x2b: {  	v1 =	vmov s14  }
0x2c: {  	v1 =	vshrl.u32 v1, $0x3  }
0x2d: {  	v1 =	vshll.u32 v1, $0xC;
	v2 =	vshll.u32 v0, $0x3  }
0x2e: {  	v8 =	vbroadcast v1, $0x0;
	v0 =	vand.u32 $0x7F, v0;
	v2 =	vand.u32 $0xFFFFFC00, v2  }
0x2f: {  	v5 =	vor.u32 v0, v2  }
0x30: {  	v6 =	vor.u32 $0x80, v5;
	v0 =	vadd.s32 v5, v8  }
0x31: {  	s14 =	simm.s32 $0x8;
	v7 =	vor.u32 $0x100, v5;
	v9 =	vadd.s32 v6, v8  }
0x32: {  	v1 =	vmov s14;
	v4 =	vor.u32 $0x180, v5;
	v10 =	vadd.s32 v7, v8  }
0x33: {  	v12 =	vshrl.u32 v1, $0x3;
	v2 =	vor.u32 $0x200, v5;
	v11 =	vadd.s32 v4, v8  }
0x34: {  	v12 =	vshll.u32 v12, $0xC;
	v3 =	vor.u32 $0x280, v5;
	v13 =	vadd.s32 v2, v8  }
0x35: {  	v12 =	vbroadcast v12, $0x0;
	v1 =	vor.u32 $0x300, v5;
	v15 =	vadd.s32 v3, v8;
	v14 =	vld.idx.msk [tilespmem:v0+s15+$0x0], $0xffff  }
0x36: {  	v16 =	vadd.s32 v1, v8;
	v9 =	vld.idx.msk [tilespmem:v9+s15+$0x0], $0xffff  }
0x37: {  	v17 =	vadd.s32 v5, v12;
	v0 =	vor.u32 $0x380, v5;
	v10 =	vld.idx.msk [tilespmem:v10+s15+$0x0], $0xffff  }
0x38: {  	v8 =	vadd.s32 v0, v8;
	v11 =	vld.idx.msk [tilespmem:v11+s15+$0x0], $0xffff  }
0x39: {  	v18 =	vadd.s32 v6, v12;
	v21 =	vld.idx.msk [tilespmem:v13+s15+$0x0], $0xffff  }
0x3a: {  	s14 =	simm.s32 $0x10;
	v22 =	vadd.s32 v7, v12;
	v23 =	vld.idx.msk [tilespmem:v15+s15+$0x0], $0xffff  }
0x3b: {  	v24 =	vadd.s32 v4, v12;
	v13 =	vmov s14;
	v25 =	vld.idx.msk [tilespmem:v16+s15+$0x0], $0xffff;
	[tilespmem:s21+$0xFFFFFE00] =	vst v14  }
0x3c: {  	v26 =	vadd.s32 v2, v12;
	v13 =	vshrl.u32 v13, $0x3;
	v14 =	vld.idx.msk [tilespmem:v17+s15+$0x0], $0xffff;
	[tilespmem:s21+$0xFFFFFE80] =	vst v9  }
0x3d: {  	v20 =	vadd.s32 v3, v12;
	v15 =	vld.idx.msk [tilespmem:v8+s15+$0x0], $0xffff;
	v8 =	vshll.u32 v13, $0xC;
	[tilespmem:s21+$0xFFFFFF00] =	vst v10  }
0x3e: {  	v19 =	vadd.s32 v1, v12;
	v13 =	vld.idx.msk [tilespmem:v18+s15+$0x0], $0xffff;
	[tilespmem:s21+$0xFFFFFF80] =	vst v11;
	v8 =	vbroadcast v8, $0x0  }
0x3f: {  	v11 =	vld.idx.msk [tilespmem:v22+s15+$0x0], $0xffff;
	[tilespmem:s21+$0x0] =	vst v21;
	v18 =	vadd.s32 v0, v12  }
0x40: {  	v12 =	vld.idx.msk [tilespmem:v24+s15+$0x0], $0xffff;
	[tilespmem:s21+$0x80] =	vst v23;
	v16 =	vadd.s32 v5, v8  }
0x41: {  	s29 =	smov.u32 s21;
	v10 =	vld.idx.msk [tilespmem:v26+s15+$0x0], $0xffff;
	[tilespmem:s21+$0x100] =	vst v25;
	v9 =	vadd.s32 v7, v8;
	v17 =	vadd.s32 v6, v8  }
.LBB2_4:
0x42: {  	s14 =	sadd.s32 $0x8, s14;
	v21 =	vld.idx.msk [tilespmem:v20+s15+$0x0], $0xffff;
	[tilespmem:s29+$0x180] =	vst v15;
	s29 =	sadd.s32 $0x1000, s29  }
0x43: {  	v22 =	vadd.s32 v4, v8;
	v15 =	vmov s14;
	p1 =	slt.u32 s14, $0x18;
	[tilespmem:s29+$0xFFFFFE00] =	vst v14;
	v23 =	vld.idx.msk [tilespmem:v19+s15+$0x0], $0xffff  }
0x44: {  	v24 =	vadd.s32 v2, v8;
	v14 =	vshrl.u32 v15, $0x3;
	[tilespmem:s29+$0xFFFFFE80] =	vst v13;
	v15 =	vld.idx.msk [tilespmem:v18+s15+$0x0], $0xffff  }
.Ltmp0:
0x45: {  	v20 =	vadd.s32 v3, v8;
	v13 =	vshll.u32 v14, $0xC;
	v14 =	vld.idx.msk [tilespmem:v16+s15+$0x0], $0xffff;
	[tilespmem:s29+$0xFFFFFF00] =	vst v11;
	(pc) =	sbr.rel @p1 .LBB2_4-.Ltmp0, $4  }
0x46: {  	v19 =	vadd.s32 v1, v8;
	v25 =	vbroadcast v13, $0x0;
	v13 =	vld.idx.msk [tilespmem:v17+s15+$0x0], $0xffff;
	[tilespmem:s29+$0xFFFFFF80] =	vst v12  }
0x47: {  	v18 =	vadd.s32 v0, v8;
	v11 =	vld.idx.msk [tilespmem:v9+s15+$0x0], $0xffff;
	[tilespmem:s29+$0x0] =	vst v10  }
0x48: {  	v16 =	vadd.s32 v5, v25;
	v9 =	vadd.s32 v7, v25;
	v12 =	vld.idx.msk [tilespmem:v22+s15+$0x0], $0xffff;
	[tilespmem:s29+$0x80] =	vst v21;
	v8 =	vmov v25  }
0x49: {  	v17 =	vadd.s32 v6, v8;
	v10 =	vld.idx.msk [tilespmem:v24+s15+$0x0], $0xffff;
	[tilespmem:s29+$0x100] =	vst v23  }
0x4a: {  	_ =	sdelay $0x1  }
0x4b: {  	v5 =	vld [tilespmem:s11+$0x10]  }
0x4c: {  	[tilespmem:s29+$0x180] =	vst v15;
	s14 =	sadd.s32 $0x1000, s29  }
0x4d: {  	v6 =	vld.idx.msk [tilespmem:v20+s15+$0x0], $0xffff;
	s29 =	simm.s32 $0x0;
	[tilespmem:s14+$0xFFFFFE00] =	vst v14  }
0x4e: {  	v4 =	vadd.s32 v4, v8;
	v7 =	vld.idx.msk [tilespmem:v19+s15+$0x0], $0xffff;
	v14 =	vmov s29;
	[tilespmem:s14+$0xFFFFFE80] =	vst v13  }
0x4f: {  	v2 =	vadd.s32 v2, v8;
	v3 =	vadd.s32 v3, v8;
	v13 =	vld.idx.msk [tilespmem:v18+s15+$0x0], $0xffff;
	v14 =	vshrl.u32 v14, $0x3;
	[tilespmem:s14+$0xFFFFFF00] =	vst v11  }
0x50: {  	v15 =	vld.idx.msk [tilespmem:v16+s15+$0x0], $0xffff;
	v11 =	vadd.s32 v1, v8;
	v14 =	vshll.u32 v14, $0xC;
	[tilespmem:s14+$0xFFFFFF80] =	vst v12;
	v1 =	vshll.u32 v5, $0x3  }
0x51: {  	v9 =	vld.idx.msk [tilespmem:v9+s15+$0x0], $0xffff;
	v12 =	vbroadcast v14, $0x0;
	[tilespmem:s14+$0x0] =	vst v10;
	v5 =	vand.u32 $0x7F, v5;
	v1 =	vand.u32 $0xFFFFFC00, v1  }
0x52: {  	v16 =	vld.idx.msk [tilespmem:v17+s15+$0x0], $0xffff;
	v8 =	vadd.s32 v0, v8;
	[tilespmem:s14+$0x80] =	vst v6;
	v0 =	vor.u32 v5, v1  }
0x53: {  	s29 =	simm.s32 $0x8;
	v10 =	vld.idx.msk [tilespmem:v4+s15+$0x0], $0xffff;
	[tilespmem:s14+$0x100] =	vst v7;
	v1 =	vor.u32 $0x80, v0;
	v14 =	vadd.s32 v0, v12  }
0x54: {  	v17 =	vld.idx.msk [tilespmem:v2+s15+$0x0], $0xffff;
	v2 =	vmov s29;
	[tilespmem:s14+$0x180] =	vst v13;
	s14 =	sadd.s32 $0x1000, s14;
	v5 =	vor.u32 $0x100, v0;
	v18 =	vadd.s32 v1, v12  }
0x55: {  	v19 =	vld.idx.msk [tilespmem:v3+s15+$0x0], $0xffff;
	v2 =	vshrl.u32 v2, $0x3;
	[tilespmem:s14+$0xFFFFFE00] =	vst v15;
	v3 =	vor.u32 $0x180, v0;
	v13 =	vadd.s32 v5, v12  }
0x56: {  	v11 =	vld.idx.msk [tilespmem:v11+s15+$0x0], $0xffff;
	[tilespmem:s14+$0xFFFFFF00] =	vst v9;
	v9 =	vshll.u32 v2, $0xC;
	v4 =	vor.u32 $0x200, v0;
	v15 =	vadd.s32 v3, v12  }
0x57: {  	[tilespmem:s14+$0xFFFFFE80] =	vst v16;
	v8 =	vld.idx.msk [tilespmem:v8+s15+$0x0], $0xffff;
	v6 =	vor.u32 $0x280, v0;
	v9 =	vbroadcast v9, $0x0;
	v16 =	vadd.s32 v4, v12  }
0x58: {  	v20 =	vadd.s32 v6, v12;
	[tilespmem:s14+$0xFFFFFF80] =	vst v10;
	v14 =	vld.idx.msk [tilespmem:v14+s15+$0x0], $0xffff  }
0x59: {  	v7 =	vor.u32 $0x300, v0;
	[tilespmem:s14+$0x0] =	vst v17;
	v17 =	vadd.s32 v0, v9;
	v10 =	vld.idx.msk [tilespmem:v18+s15+$0x0], $0xffff  }
0x5a: {  	v2 =	vor.u32 $0x380, v0;
	v18 =	vadd.s32 v7, v12;
	v13 =	vld.idx.msk [tilespmem:v13+s15+$0x0], $0xffff  }
0x5b: {  	[tilespmem:s14+$0x80] =	vst v19;
	v12 =	vadd.s32 v2, v12;
	v19 =	vld.idx.msk [tilespmem:v15+s15+$0x0], $0xffff  }
0x5c: {  	[tilespmem:s14+$0x100] =	vst v11;
	v11 =	vadd.s32 v1, v9;
	v16 =	vld.idx.msk [tilespmem:v16+s15+$0x0], $0xffff  }
0x5d: {  	v21 =	vadd.s32 v5, v9;
	[tilespmem:s14+$0x180] =	vst v8;
	s14 =	simm.s32 $0x10;
	v22 =	vld.idx.msk [tilespmem:v20+s15+$0x0], $0xffff  }
0x5e: {  	v23 =	vadd.s32 v3, v9;
	v8 =	vmov s14;
	[tilespmem:s30+$0xFFFFFE00] =	vst v14;
	v14 =	vld.idx.msk [tilespmem:v17+s15+$0x0], $0xffff  }
0x5f: {  	v25 =	vadd.s32 v4, v9;
	v8 =	vshrl.u32 v8, $0x3;
	v24 =	vld.idx.msk [tilespmem:v18+s15+$0x0], $0xffff;
	[tilespmem:s30+$0xFFFFFE80] =	vst v10  }
0x60: {  	v20 =	vadd.s32 v6, v9;
	v8 =	vshll.u32 v8, $0xC;
	v15 =	vld.idx.msk [tilespmem:v12+s15+$0x0], $0xffff;
	[tilespmem:s30+$0xFFFFFF00] =	vst v13  }
0x61: {  	v8 =	vbroadcast v8, $0x0;
	v13 =	vld.idx.msk [tilespmem:v11+s15+$0x0], $0xffff;
	[tilespmem:s30+$0xFFFFFF80] =	vst v19;
	v19 =	vadd.s32 v7, v9  }
0x62: {  	v11 =	vld.idx.msk [tilespmem:v21+s15+$0x0], $0xffff;
	[tilespmem:s30+$0x0] =	vst v16;
	v18 =	vadd.s32 v2, v9  }
0x63: {  	v16 =	vadd.s32 v0, v8;
	v12 =	vld.idx.msk [tilespmem:v23+s15+$0x0], $0xffff;
	[tilespmem:s30+$0x80] =	vst v22  }
0x64: {  	s29 =	smov.u32 s30;
	v17 =	vadd.s32 v1, v8;
	v9 =	vadd.s32 v5, v8;
	v10 =	vld.idx.msk [tilespmem:v25+s15+$0x0], $0xffff;
	[tilespmem:s30+$0x100] =	vst v24  }
.LBB2_6:
0x65: {  	s14 =	sadd.s32 $0x8, s14;
	v21 =	vld.idx.msk [tilespmem:v20+s15+$0x0], $0xffff;
	[tilespmem:s29+$0x180] =	vst v15;
	s29 =	sadd.s32 $0x1000, s29  }
0x66: {  	v22 =	vadd.s32 v3, v8;
	v15 =	vmov s14;
	p1 =	slt.u32 s14, $0x18;
	[tilespmem:s29+$0xFFFFFE00] =	vst v14;
	v23 =	vld.idx.msk [tilespmem:v19+s15+$0x0], $0xffff  }
0x67: {  	v24 =	vadd.s32 v4, v8;
	v14 =	vshrl.u32 v15, $0x3;
	[tilespmem:s29+$0xFFFFFE80] =	vst v13;
	v15 =	vld.idx.msk [tilespmem:v18+s15+$0x0], $0xffff  }
.Ltmp1:
0x68: {  	v20 =	vadd.s32 v6, v8;
	v13 =	vshll.u32 v14, $0xC;
	v14 =	vld.idx.msk [tilespmem:v16+s15+$0x0], $0xffff;
	[tilespmem:s29+$0xFFFFFF00] =	vst v11;
	(pc) =	sbr.rel @p1 .LBB2_6-.Ltmp1, $4  }
0x69: {  	v19 =	vadd.s32 v7, v8;
	v25 =	vbroadcast v13, $0x0;
	v13 =	vld.idx.msk [tilespmem:v17+s15+$0x0], $0xffff;
	[tilespmem:s29+$0xFFFFFF80] =	vst v12  }
0x6a: {  	v18 =	vadd.s32 v2, v8;
	v11 =	vld.idx.msk [tilespmem:v9+s15+$0x0], $0xffff;
	[tilespmem:s29+$0x0] =	vst v10  }
0x6b: {  	v16 =	vadd.s32 v0, v25;
	v9 =	vadd.s32 v5, v25;
	v12 =	vld.idx.msk [tilespmem:v22+s15+$0x0], $0xffff;
	[tilespmem:s29+$0x80] =	vst v21;
	v8 =	vmov v25  }
0x6c: {  	v17 =	vadd.s32 v1, v8;
	v10 =	vld.idx.msk [tilespmem:v24+s15+$0x0], $0xffff;
	[tilespmem:s29+$0x100] =	vst v23  }
0x6d: {  	_ =	sdelay $0x1  }
0x6e: {  	v0 =	vld [tilespmem:s11+$0x20];
	_ =	sdelay $0x1  }
0x6f: {  	v1 =	vld.idx.msk [tilespmem:v20+s15+$0x0], $0xffff;
	[tilespmem:s29+$0x180] =	vst v15;
	s14 =	sadd.s32 $0x1000, s29;
	s29 =	simm.s32 $0x0  }
0x70: {  	v3 =	vadd.s32 v3, v8;
	v5 =	vld.idx.msk [tilespmem:v19+s15+$0x0], $0xffff;
	[tilespmem:s14+$0xFFFFFE00] =	vst v14;
	v14 =	vmov s29  }
0x71: {  	v4 =	vadd.s32 v4, v8;
	v6 =	vadd.s32 v6, v8;
	v15 =	vld.idx.msk [tilespmem:v16+s15+$0x0], $0xffff;
	[tilespmem:s14+$0xFFFFFE80] =	vst v13;
	v14 =	vshrl.u32 v14, $0x3  }
0x72: {  	v7 =	vadd.s32 v7, v8;
	v13 =	vld.idx.msk [tilespmem:v18+s15+$0x0], $0xffff;
	[tilespmem:s14+$0xFFFFFF00] =	vst v11;
	v14 =	vshll.u32 v14, $0xC;
	v11 =	vshll.u32 v0, $0x3  }
0x73: {  	v16 =	vld.idx.msk [tilespmem:v17+s15+$0x0], $0xffff;
	[tilespmem:s14+$0xFFFFFF80] =	vst v12;
	v12 =	vbroadcast v14, $0x0;
	v0 =	vand.u32 $0x7F, v0;
	v11 =	vand.u32 $0xFFFFFC00, v11  }
0x74: {  	v9 =	vld.idx.msk [tilespmem:v9+s15+$0x0], $0xffff;
	v2 =	vadd.s32 v2, v8;
	[tilespmem:s14+$0x0] =	vst v10;
	v0 =	vor.u32 v0, v11  }
0x75: {  	v8 =	vld.idx.msk [tilespmem:v3+s15+$0x0], $0xffff;
	[tilespmem:s14+$0x80] =	vst v1;
	v1 =	vor.u32 $0x80, v0;
	v10 =	vadd.s32 v0, v12  }
0x76: {  	[tilespmem:s14+$0x100] =	vst v5;
	v17 =	vld.idx.msk [tilespmem:v6+s15+$0x0], $0xffff;
	v5 =	vor.u32 $0x100, v0;
	v14 =	vadd.s32 v1, v12  }
0x77: {  	s29 =	simm.s32 $0x8;
	[tilespmem:s14+$0x180] =	vst v13;
	s14 =	sadd.s32 $0x1000, s14;
	v11 =	vld.idx.msk [tilespmem:v4+s15+$0x0], $0xffff;
	v3 =	vor.u32 $0x180, v0;
	v13 =	vadd.s32 v5, v12  }
0x78: {  	[tilespmem:s14+$0xFFFFFE00] =	vst v15;
	v15 =	vld.idx.msk [tilespmem:v7+s15+$0x0], $0xffff;
	v7 =	vmov s29;
	v4 =	vor.u32 $0x200, v0;
	v18 =	vadd.s32 v3, v12  }
0x79: {  	[tilespmem:s14+$0xFFFFFE80] =	vst v16;
	v16 =	vld.idx.msk [tilespmem:v2+s15+$0x0], $0xffff;
	v6 =	vor.u32 $0x280, v0;
	v2 =	vshrl.u32 v7, $0x3;
	v19 =	vadd.s32 v4, v12  }
0x7a: {  	[tilespmem:s14+$0xFFFFFF00] =	vst v9;
	v7 =	vor.u32 $0x300, v0;
	v9 =	vshll.u32 v2, $0xC;
	v20 =	vadd.s32 v6, v12;
	v10 =	vld.idx.msk [tilespmem:v10+s15+$0x0], $0xffff  }
0x7b: {  	v2 =	vor.u32 $0x380, v0;
	[tilespmem:s14+$0xFFFFFF80] =	vst v8;
	v9 =	vbroadcast v9, $0x0;
	v8 =	vld.idx.msk [tilespmem:v14+s15+$0x0], $0xffff;
	v14 =	vadd.s32 v7, v12  }
0x7c: {  	[tilespmem:s14+$0x0] =	vst v11;
	v11 =	vld.idx.msk [tilespmem:v13+s15+$0x0], $0xffff;
	v12 =	vadd.s32 v2, v12  }
0x7d: {  	[tilespmem:s14+$0x80] =	vst v17;
	v13 =	vadd.s32 v0, v9;
	v17 =	vld.idx.msk [tilespmem:v18+s15+$0x0], $0xffff  }
0x7e: {  	[tilespmem:s14+$0x100] =	vst v15;
	v18 =	vadd.s32 v1, v9;
	v21 =	vld.idx.msk [tilespmem:v19+s15+$0x0], $0xffff  }
0x7f: {  	[tilespmem:s14+$0x180] =	vst v16;
	v16 =	vadd.s32 v5, v9;
	s14 =	simm.s32 $0x10;
	v22 =	vld.idx.msk [tilespmem:v20+s15+$0x0], $0xffff  }
0x80: {  	v23 =	vadd.s32 v3, v9;
	v15 =	vmov s14;
	[tilespmem:s31+$0xFFFFFE00] =	vst v10;
	v24 =	vld.idx.msk [tilespmem:v14+s15+$0x0], $0xffff  }
0x81: {  	v25 =	vadd.s32 v4, v9;
	v10 =	vshrl.u32 v15, $0x3;
	[tilespmem:s31+$0xFFFFFE80] =	vst v8;
	v15 =	vld.idx.msk [tilespmem:v12+s15+$0x0], $0xffff  }
0x82: {  	v20 =	vadd.s32 v6, v9;
	v8 =	vshll.u32 v10, $0xC;
	v14 =	vld.idx.msk [tilespmem:v13+s15+$0x0], $0xffff;
	[tilespmem:s31+$0xFFFFFF00] =	vst v11  }
0x83: {  	v19 =	vadd.s32 v7, v9;
	v13 =	vld.idx.msk [tilespmem:v18+s15+$0x0], $0xffff;
	[tilespmem:s31+$0xFFFFFF80] =	vst v17;
	v8 =	vbroadcast v8, $0x0  }
0x84: {  	v11 =	vld.idx.msk [tilespmem:v16+s15+$0x0], $0xffff;
	[tilespmem:s31+$0x0] =	vst v21;
	v18 =	vadd.s32 v2, v9  }
0x85: {  	v12 =	vld.idx.msk [tilespmem:v23+s15+$0x0], $0xffff;
	[tilespmem:s31+$0x80] =	vst v22;
	v16 =	vadd.s32 v0, v8  }
0x86: {  	s29 =	smov.u32 s31;
	v10 =	vld.idx.msk [tilespmem:v25+s15+$0x0], $0xffff;
	v9 =	vadd.s32 v5, v8;
	v17 =	vadd.s32 v1, v8;
	[tilespmem:s31+$0x100] =	vst v24  }
.LBB2_8:
0x87: {  	s14 =	sadd.s32 $0x8, s14;
	v21 =	vld.idx.msk [tilespmem:v20+s15+$0x0], $0xffff;
	[tilespmem:s29+$0x180] =	vst v15;
	s29 =	sadd.s32 $0x1000, s29  }
0x88: {  	v22 =	vadd.s32 v3, v8;
	v15 =	vmov s14;
	p1 =	slt.u32 s14, $0x18;
	[tilespmem:s29+$0xFFFFFE00] =	vst v14;
	v23 =	vld.idx.msk [tilespmem:v19+s15+$0x0], $0xffff  }
0x89: {  	v24 =	vadd.s32 v4, v8;
	v14 =	vshrl.u32 v15, $0x3;
	[tilespmem:s29+$0xFFFFFE80] =	vst v13;
	v15 =	vld.idx.msk [tilespmem:v18+s15+$0x0], $0xffff  }
.Ltmp2:
0x8a: {  	v20 =	vadd.s32 v6, v8;
	v13 =	vshll.u32 v14, $0xC;
	v14 =	vld.idx.msk [tilespmem:v16+s15+$0x0], $0xffff;
	[tilespmem:s29+$0xFFFFFF00] =	vst v11;
	(pc) =	sbr.rel @p1 .LBB2_8-.Ltmp2, $4  }
0x8b: {  	v19 =	vadd.s32 v7, v8;
	v25 =	vbroadcast v13, $0x0;
	v13 =	vld.idx.msk [tilespmem:v17+s15+$0x0], $0xffff;
	[tilespmem:s29+$0xFFFFFF80] =	vst v12  }
0x8c: {  	v18 =	vadd.s32 v2, v8;
	v11 =	vld.idx.msk [tilespmem:v9+s15+$0x0], $0xffff;
	[tilespmem:s29+$0x0] =	vst v10  }
0x8d: {  	v16 =	vadd.s32 v0, v25;
	v9 =	vadd.s32 v5, v25;
	v12 =	vld.idx.msk [tilespmem:v22+s15+$0x0], $0xffff;
	[tilespmem:s29+$0x80] =	vst v21;
	v8 =	vmov v25  }
0x8e: {  	v17 =	vadd.s32 v1, v8;
	v10 =	vld.idx.msk [tilespmem:v24+s15+$0x0], $0xffff;
	[tilespmem:s29+$0x100] =	vst v23  }
0x8f: {  	_ =	sdelay $0x1  }
0x90: {  	v0 =	vld [tilespmem:s11+$0x30];
	_ =	sdelay $0x1  }
0x91: {  	v1 =	vld.idx.msk [tilespmem:v20+s15+$0x0], $0xffff;
	[tilespmem:s29+$0x180] =	vst v15;
	s14 =	sadd.s32 $0x1000, s29;
	s29 =	simm.s32 $0x0  }
0x92: {  	v3 =	vadd.s32 v3, v8;
	v5 =	vld.idx.msk [tilespmem:v19+s15+$0x0], $0xffff;
	[tilespmem:s14+$0xFFFFFE00] =	vst v14;
	v14 =	vmov s29  }
0x93: {  	v4 =	vadd.s32 v4, v8;
	v6 =	vadd.s32 v6, v8;
	v15 =	vld.idx.msk [tilespmem:v16+s15+$0x0], $0xffff;
	[tilespmem:s14+$0xFFFFFE80] =	vst v13;
	v14 =	vshrl.u32 v14, $0x3  }
0x94: {  	v7 =	vadd.s32 v7, v8;
	v13 =	vld.idx.msk [tilespmem:v18+s15+$0x0], $0xffff;
	[tilespmem:s14+$0xFFFFFF00] =	vst v11;
	v14 =	vshll.u32 v14, $0xC;
	v11 =	vshll.u32 v0, $0x3  }
0x95: {  	v16 =	vld.idx.msk [tilespmem:v17+s15+$0x0], $0xffff;
	[tilespmem:s14+$0xFFFFFF80] =	vst v12;
	v12 =	vbroadcast v14, $0x0;
	v0 =	vand.u32 $0x7F, v0;
	v11 =	vand.u32 $0xFFFFFC00, v11  }
0x96: {  	v9 =	vld.idx.msk [tilespmem:v9+s15+$0x0], $0xffff;
	v2 =	vadd.s32 v2, v8;
	[tilespmem:s14+$0x0] =	vst v10;
	v0 =	vor.u32 v0, v11  }
0x97: {  	v8 =	vld.idx.msk [tilespmem:v3+s15+$0x0], $0xffff;
	[tilespmem:s14+$0x80] =	vst v1;
	v1 =	vor.u32 $0x80, v0;
	v10 =	vadd.s32 v0, v12  }
0x98: {  	[tilespmem:s14+$0x100] =	vst v5;
	v17 =	vld.idx.msk [tilespmem:v6+s15+$0x0], $0xffff;
	v5 =	vor.u32 $0x100, v0;
	v14 =	vadd.s32 v1, v12  }
0x99: {  	s29 =	simm.s32 $0x8;
	[tilespmem:s14+$0x180] =	vst v13;
	s14 =	sadd.s32 $0x1000, s14;
	v11 =	vld.idx.msk [tilespmem:v4+s15+$0x0], $0xffff;
	v3 =	vor.u32 $0x180, v0;
	v13 =	vadd.s32 v5, v12  }
0x9a: {  	[tilespmem:s14+$0xFFFFFE00] =	vst v15;
	v15 =	vld.idx.msk [tilespmem:v7+s15+$0x0], $0xffff;
	v7 =	vmov s29;
	v4 =	vor.u32 $0x200, v0;
	v18 =	vadd.s32 v3, v12  }
0x9b: {  	[tilespmem:s14+$0xFFFFFE80] =	vst v16;
	v16 =	vld.idx.msk [tilespmem:v2+s15+$0x0], $0xffff;
	v6 =	vor.u32 $0x280, v0;
	v2 =	vshrl.u32 v7, $0x3;
	v19 =	vadd.s32 v4, v12  }
0x9c: {  	[tilespmem:s14+$0xFFFFFF00] =	vst v9;
	v7 =	vor.u32 $0x300, v0;
	v9 =	vshll.u32 v2, $0xC;
	v20 =	vadd.s32 v6, v12;
	v10 =	vld.idx.msk [tilespmem:v10+s15+$0x0], $0xffff  }
0x9d: {  	v2 =	vor.u32 $0x380, v0;
	[tilespmem:s14+$0xFFFFFF80] =	vst v8;
	v9 =	vbroadcast v9, $0x0;
	v8 =	vld.idx.msk [tilespmem:v14+s15+$0x0], $0xffff;
	v14 =	vadd.s32 v7, v12  }
0x9e: {  	[tilespmem:s14+$0x0] =	vst v11;
	v11 =	vld.idx.msk [tilespmem:v13+s15+$0x0], $0xffff;
	v12 =	vadd.s32 v2, v12  }
0x9f: {  	[tilespmem:s14+$0x80] =	vst v17;
	v13 =	vadd.s32 v0, v9;
	v17 =	vld.idx.msk [tilespmem:v18+s15+$0x0], $0xffff  }
0xa0: {  	[tilespmem:s14+$0x100] =	vst v15;
	v18 =	vadd.s32 v1, v9;
	v21 =	vld.idx.msk [tilespmem:v19+s15+$0x0], $0xffff  }
0xa1: {  	[tilespmem:s14+$0x180] =	vst v16;
	v16 =	vadd.s32 v5, v9;
	s14 =	simm.s32 $0x10;
	v22 =	vld.idx.msk [tilespmem:v20+s15+$0x0], $0xffff  }
0xa2: {  	v23 =	vadd.s32 v3, v9;
	v15 =	vmov s14;
	[tilespmem:s2+$0xFFFFFE00] =	vst v10;
	v24 =	vld.idx.msk [tilespmem:v14+s15+$0x0], $0xffff  }
0xa3: {  	v25 =	vadd.s32 v4, v9;
	v10 =	vshrl.u32 v15, $0x3;
	[tilespmem:s2+$0xFFFFFE80] =	vst v8;
	v15 =	vld.idx.msk [tilespmem:v12+s15+$0x0], $0xffff  }
0xa4: {  	v20 =	vadd.s32 v6, v9;
	v8 =	vshll.u32 v10, $0xC;
	v14 =	vld.idx.msk [tilespmem:v13+s15+$0x0], $0xffff;
	[tilespmem:s2+$0xFFFFFF00] =	vst v11  }
0xa5: {  	v19 =	vadd.s32 v7, v9;
	v13 =	vld.idx.msk [tilespmem:v18+s15+$0x0], $0xffff;
	[tilespmem:s2+$0xFFFFFF80] =	vst v17;
	v8 =	vbroadcast v8, $0x0  }
0xa6: {  	v11 =	vld.idx.msk [tilespmem:v16+s15+$0x0], $0xffff;
	[tilespmem:s2+$0x0] =	vst v21;
	v18 =	vadd.s32 v2, v9  }
0xa7: {  	v12 =	vld.idx.msk [tilespmem:v23+s15+$0x0], $0xffff;
	[tilespmem:s2+$0x80] =	vst v22;
	v16 =	vadd.s32 v0, v8  }
0xa8: {  	s29 =	smov.u32 s2;
	v10 =	vld.idx.msk [tilespmem:v25+s15+$0x0], $0xffff;
	v9 =	vadd.s32 v5, v8;
	v17 =	vadd.s32 v1, v8;
	[tilespmem:s2+$0x100] =	vst v24  }
.LBB2_10:
0xa9: {  	s14 =	sadd.s32 $0x8, s14;
	v21 =	vld.idx.msk [tilespmem:v20+s15+$0x0], $0xffff;
	[tilespmem:s29+$0x180] =	vst v15;
	s29 =	sadd.s32 $0x1000, s29  }
0xaa: {  	v22 =	vadd.s32 v3, v8;
	v15 =	vmov s14;
	p1 =	slt.u32 s14, $0x18;
	[tilespmem:s29+$0xFFFFFE00] =	vst v14;
	v23 =	vld.idx.msk [tilespmem:v19+s15+$0x0], $0xffff  }
0xab: {  	v24 =	vadd.s32 v4, v8;
	v14 =	vshrl.u32 v15, $0x3;
	[tilespmem:s29+$0xFFFFFE80] =	vst v13;
	v15 =	vld.idx.msk [tilespmem:v18+s15+$0x0], $0xffff  }
.Ltmp3:
0xac: {  	v20 =	vadd.s32 v6, v8;
	v13 =	vshll.u32 v14, $0xC;
	v14 =	vld.idx.msk [tilespmem:v16+s15+$0x0], $0xffff;
	[tilespmem:s29+$0xFFFFFF00] =	vst v11;
	(pc) =	sbr.rel @p1 .LBB2_10-.Ltmp3, $4  }
0xad: {  	v19 =	vadd.s32 v7, v8;
	v25 =	vbroadcast v13, $0x0;
	v13 =	vld.idx.msk [tilespmem:v17+s15+$0x0], $0xffff;
	[tilespmem:s29+$0xFFFFFF80] =	vst v12  }
0xae: {  	v18 =	vadd.s32 v2, v8;
	v11 =	vld.idx.msk [tilespmem:v9+s15+$0x0], $0xffff;
	[tilespmem:s29+$0x0] =	vst v10  }
0xaf: {  	v16 =	vadd.s32 v0, v25;
	v9 =	vadd.s32 v5, v25;
	v12 =	vld.idx.msk [tilespmem:v22+s15+$0x0], $0xffff;
	[tilespmem:s29+$0x80] =	vst v21;
	v8 =	vmov v25  }
0xb0: {  	v17 =	vadd.s32 v1, v8;
	v10 =	vld.idx.msk [tilespmem:v24+s15+$0x0], $0xffff;
	[tilespmem:s29+$0x100] =	vst v23  }
0xb1: {  	_ =	sdelay $0x1  }
0xb2: {  	v0 =	vld [tilespmem:s11+$0x40];
	_ =	sdelay $0x1  }
0xb3: {  	v1 =	vld.idx.msk [tilespmem:v20+s15+$0x0], $0xffff;
	[tilespmem:s29+$0x180] =	vst v15;
	s14 =	sadd.s32 $0x1000, s29;
	s29 =	simm.s32 $0x0  }
0xb4: {  	v3 =	vadd.s32 v3, v8;
	v5 =	vld.idx.msk [tilespmem:v19+s15+$0x0], $0xffff;
	[tilespmem:s14+$0xFFFFFE00] =	vst v14;
	v14 =	vmov s29  }
0xb5: {  	v4 =	vadd.s32 v4, v8;
	v6 =	vadd.s32 v6, v8;
	v15 =	vld.idx.msk [tilespmem:v16+s15+$0x0], $0xffff;
	[tilespmem:s14+$0xFFFFFE80] =	vst v13;
	v14 =	vshrl.u32 v14, $0x3  }
0xb6: {  	v7 =	vadd.s32 v7, v8;
	v13 =	vld.idx.msk [tilespmem:v18+s15+$0x0], $0xffff;
	[tilespmem:s14+$0xFFFFFF00] =	vst v11;
	v14 =	vshll.u32 v14, $0xC;
	v11 =	vshll.u32 v0, $0x3  }
0xb7: {  	v16 =	vld.idx.msk [tilespmem:v17+s15+$0x0], $0xffff;
	[tilespmem:s14+$0xFFFFFF80] =	vst v12;
	v12 =	vbroadcast v14, $0x0;
	v0 =	vand.u32 $0x7F, v0;
	v11 =	vand.u32 $0xFFFFFC00, v11  }
0xb8: {  	v9 =	vld.idx.msk [tilespmem:v9+s15+$0x0], $0xffff;
	v2 =	vadd.s32 v2, v8;
	[tilespmem:s14+$0x0] =	vst v10;
	v0 =	vor.u32 v0, v11  }
0xb9: {  	v8 =	vld.idx.msk [tilespmem:v3+s15+$0x0], $0xffff;
	[tilespmem:s14+$0x80] =	vst v1;
	v1 =	vor.u32 $0x80, v0;
	v10 =	vadd.s32 v0, v12  }
0xba: {  	[tilespmem:s14+$0x100] =	vst v5;
	v17 =	vld.idx.msk [tilespmem:v6+s15+$0x0], $0xffff;
	v5 =	vor.u32 $0x100, v0;
	v14 =	vadd.s32 v1, v12  }
0xbb: {  	s29 =	simm.s32 $0x8;
	[tilespmem:s14+$0x180] =	vst v13;
	s14 =	sadd.s32 $0x1000, s14;
	v11 =	vld.idx.msk [tilespmem:v4+s15+$0x0], $0xffff;
	v3 =	vor.u32 $0x180, v0;
	v13 =	vadd.s32 v5, v12  }
0xbc: {  	[tilespmem:s14+$0xFFFFFE00] =	vst v15;
	v15 =	vld.idx.msk [tilespmem:v7+s15+$0x0], $0xffff;
	v7 =	vmov s29;
	v4 =	vor.u32 $0x200, v0;
	v18 =	vadd.s32 v3, v12  }
0xbd: {  	[tilespmem:s14+$0xFFFFFE80] =	vst v16;
	v16 =	vld.idx.msk [tilespmem:v2+s15+$0x0], $0xffff;
	v6 =	vor.u32 $0x280, v0;
	v2 =	vshrl.u32 v7, $0x3;
	v19 =	vadd.s32 v4, v12  }
0xbe: {  	[tilespmem:s14+$0xFFFFFF00] =	vst v9;
	v7 =	vor.u32 $0x300, v0;
	v9 =	vshll.u32 v2, $0xC;
	v20 =	vadd.s32 v6, v12;
	v10 =	vld.idx.msk [tilespmem:v10+s15+$0x0], $0xffff  }
0xbf: {  	v2 =	vor.u32 $0x380, v0;
	[tilespmem:s14+$0xFFFFFF80] =	vst v8;
	v9 =	vbroadcast v9, $0x0;
	v8 =	vld.idx.msk [tilespmem:v14+s15+$0x0], $0xffff;
	v14 =	vadd.s32 v7, v12  }
0xc0: {  	[tilespmem:s14+$0x0] =	vst v11;
	v11 =	vld.idx.msk [tilespmem:v13+s15+$0x0], $0xffff;
	v12 =	vadd.s32 v2, v12  }
0xc1: {  	[tilespmem:s14+$0x80] =	vst v17;
	v13 =	vadd.s32 v0, v9;
	v17 =	vld.idx.msk [tilespmem:v18+s15+$0x0], $0xffff  }
0xc2: {  	[tilespmem:s14+$0x100] =	vst v15;
	v18 =	vadd.s32 v1, v9;
	v21 =	vld.idx.msk [tilespmem:v19+s15+$0x0], $0xffff  }
0xc3: {  	[tilespmem:s14+$0x180] =	vst v16;
	v16 =	vadd.s32 v5, v9;
	s14 =	simm.s32 $0x10;
	v22 =	vld.idx.msk [tilespmem:v20+s15+$0x0], $0xffff  }
0xc4: {  	v23 =	vadd.s32 v3, v9;
	v15 =	vmov s14;
	[tilespmem:s0+$0xFFFFFE00] =	vst v10;
	v24 =	vld.idx.msk [tilespmem:v14+s15+$0x0], $0xffff  }
0xc5: {  	v25 =	vadd.s32 v4, v9;
	v10 =	vshrl.u32 v15, $0x3;
	[tilespmem:s0+$0xFFFFFE80] =	vst v8;
	v15 =	vld.idx.msk [tilespmem:v12+s15+$0x0], $0xffff  }
0xc6: {  	v20 =	vadd.s32 v6, v9;
	v8 =	vshll.u32 v10, $0xC;
	v14 =	vld.idx.msk [tilespmem:v13+s15+$0x0], $0xffff;
	[tilespmem:s0+$0xFFFFFF00] =	vst v11  }
0xc7: {  	v19 =	vadd.s32 v7, v9;
	v13 =	vld.idx.msk [tilespmem:v18+s15+$0x0], $0xffff;
	[tilespmem:s0+$0xFFFFFF80] =	vst v17;
	v8 =	vbroadcast v8, $0x0  }
0xc8: {  	v11 =	vld.idx.msk [tilespmem:v16+s15+$0x0], $0xffff;
	[tilespmem:s0+$0x0] =	vst v21;
	v18 =	vadd.s32 v2, v9  }
0xc9: {  	v12 =	vld.idx.msk [tilespmem:v23+s15+$0x0], $0xffff;
	[tilespmem:s0+$0x80] =	vst v22;
	v16 =	vadd.s32 v0, v8  }
0xca: {  	s29 =	smov.u32 s0;
	v10 =	vld.idx.msk [tilespmem:v25+s15+$0x0], $0xffff;
	v9 =	vadd.s32 v5, v8;
	v17 =	vadd.s32 v1, v8;
	[tilespmem:s0+$0x100] =	vst v24  }
.LBB2_12:
0xcb: {  	s14 =	sadd.s32 $0x8, s14;
	v21 =	vld.idx.msk [tilespmem:v20+s15+$0x0], $0xffff;
	[tilespmem:s29+$0x180] =	vst v15;
	s29 =	sadd.s32 $0x1000, s29  }
0xcc: {  	v22 =	vadd.s32 v3, v8;
	v15 =	vmov s14;
	p1 =	slt.u32 s14, $0x18;
	[tilespmem:s29+$0xFFFFFE00] =	vst v14;
	v23 =	vld.idx.msk [tilespmem:v19+s15+$0x0], $0xffff  }
0xcd: {  	v24 =	vadd.s32 v4, v8;
	v14 =	vshrl.u32 v15, $0x3;
	[tilespmem:s29+$0xFFFFFE80] =	vst v13;
	v15 =	vld.idx.msk [tilespmem:v18+s15+$0x0], $0xffff  }
.Ltmp4:
0xce: {  	v20 =	vadd.s32 v6, v8;
	v13 =	vshll.u32 v14, $0xC;
	v14 =	vld.idx.msk [tilespmem:v16+s15+$0x0], $0xffff;
	[tilespmem:s29+$0xFFFFFF00] =	vst v11;
	(pc) =	sbr.rel @p1 .LBB2_12-.Ltmp4, $4  }
0xcf: {  	v19 =	vadd.s32 v7, v8;
	v25 =	vbroadcast v13, $0x0;
	v13 =	vld.idx.msk [tilespmem:v17+s15+$0x0], $0xffff;
	[tilespmem:s29+$0xFFFFFF80] =	vst v12  }
0xd0: {  	v18 =	vadd.s32 v2, v8;
	v11 =	vld.idx.msk [tilespmem:v9+s15+$0x0], $0xffff;
	[tilespmem:s29+$0x0] =	vst v10  }
0xd1: {  	v16 =	vadd.s32 v0, v25;
	v9 =	vadd.s32 v5, v25;
	v12 =	vld.idx.msk [tilespmem:v22+s15+$0x0], $0xffff;
	[tilespmem:s29+$0x80] =	vst v21;
	v8 =	vmov v25  }
0xd2: {  	v17 =	vadd.s32 v1, v8;
	v10 =	vld.idx.msk [tilespmem:v24+s15+$0x0], $0xffff;
	[tilespmem:s29+$0x100] =	vst v23  }
0xd3: {  	_ =	sdelay $0x1  }
0xd4: {  	v0 =	vld [tilespmem:s11+$0x50];
	_ =	sdelay $0x1  }
0xd5: {  	v1 =	vld.idx.msk [tilespmem:v20+s15+$0x0], $0xffff;
	[tilespmem:s29+$0x180] =	vst v15;
	s14 =	sadd.s32 $0x1000, s29;
	s29 =	simm.s32 $0x0  }
0xd6: {  	v3 =	vadd.s32 v3, v8;
	v5 =	vld.idx.msk [tilespmem:v19+s15+$0x0], $0xffff;
	[tilespmem:s14+$0xFFFFFE00] =	vst v14;
	v14 =	vmov s29  }
0xd7: {  	v4 =	vadd.s32 v4, v8;
	v6 =	vadd.s32 v6, v8;
	v15 =	vld.idx.msk [tilespmem:v16+s15+$0x0], $0xffff;
	[tilespmem:s14+$0xFFFFFE80] =	vst v13;
	v14 =	vshrl.u32 v14, $0x3  }
0xd8: {  	v7 =	vadd.s32 v7, v8;
	v13 =	vld.idx.msk [tilespmem:v18+s15+$0x0], $0xffff;
	[tilespmem:s14+$0xFFFFFF00] =	vst v11;
	v14 =	vshll.u32 v14, $0xC;
	v11 =	vshll.u32 v0, $0x3  }
0xd9: {  	v16 =	vld.idx.msk [tilespmem:v17+s15+$0x0], $0xffff;
	[tilespmem:s14+$0xFFFFFF80] =	vst v12;
	v12 =	vbroadcast v14, $0x0;
	v0 =	vand.u32 $0x7F, v0;
	v11 =	vand.u32 $0xFFFFFC00, v11  }
0xda: {  	v9 =	vld.idx.msk [tilespmem:v9+s15+$0x0], $0xffff;
	v2 =	vadd.s32 v2, v8;
	[tilespmem:s14+$0x0] =	vst v10;
	v0 =	vor.u32 v0, v11  }
0xdb: {  	v8 =	vld.idx.msk [tilespmem:v3+s15+$0x0], $0xffff;
	[tilespmem:s14+$0x80] =	vst v1;
	v1 =	vor.u32 $0x80, v0;
	v10 =	vadd.s32 v0, v12  }
0xdc: {  	[tilespmem:s14+$0x100] =	vst v5;
	v17 =	vld.idx.msk [tilespmem:v6+s15+$0x0], $0xffff;
	v5 =	vor.u32 $0x100, v0;
	v14 =	vadd.s32 v1, v12  }
0xdd: {  	s29 =	simm.s32 $0x8;
	[tilespmem:s14+$0x180] =	vst v13;
	s14 =	sadd.s32 $0x1000, s14;
	v11 =	vld.idx.msk [tilespmem:v4+s15+$0x0], $0xffff;
	v3 =	vor.u32 $0x180, v0;
	v13 =	vadd.s32 v5, v12  }
0xde: {  	[tilespmem:s14+$0xFFFFFE00] =	vst v15;
	v15 =	vld.idx.msk [tilespmem:v7+s15+$0x0], $0xffff;
	v7 =	vmov s29;
	v4 =	vor.u32 $0x200, v0;
	v18 =	vadd.s32 v3, v12  }
0xdf: {  	[tilespmem:s14+$0xFFFFFE80] =	vst v16;
	v16 =	vld.idx.msk [tilespmem:v2+s15+$0x0], $0xffff;
	v6 =	vor.u32 $0x280, v0;
	v2 =	vshrl.u32 v7, $0x3;
	v19 =	vadd.s32 v4, v12  }
0xe0: {  	[tilespmem:s14+$0xFFFFFF00] =	vst v9;
	v7 =	vor.u32 $0x300, v0;
	v9 =	vshll.u32 v2, $0xC;
	v20 =	vadd.s32 v6, v12;
	v10 =	vld.idx.msk [tilespmem:v10+s15+$0x0], $0xffff  }
0xe1: {  	v2 =	vor.u32 $0x380, v0;
	[tilespmem:s14+$0xFFFFFF80] =	vst v8;
	v9 =	vbroadcast v9, $0x0;
	v8 =	vld.idx.msk [tilespmem:v14+s15+$0x0], $0xffff;
	v14 =	vadd.s32 v7, v12  }
0xe2: {  	[tilespmem:s14+$0x0] =	vst v11;
	v11 =	vld.idx.msk [tilespmem:v13+s15+$0x0], $0xffff;
	v12 =	vadd.s32 v2, v12  }
0xe3: {  	[tilespmem:s14+$0x80] =	vst v17;
	v13 =	vadd.s32 v0, v9;
	v17 =	vld.idx.msk [tilespmem:v18+s15+$0x0], $0xffff  }
0xe4: {  	[tilespmem:s14+$0x100] =	vst v15;
	v18 =	vadd.s32 v1, v9;
	v21 =	vld.idx.msk [tilespmem:v19+s15+$0x0], $0xffff  }
0xe5: {  	[tilespmem:s14+$0x180] =	vst v16;
	v16 =	vadd.s32 v5, v9;
	s14 =	simm.s32 $0x10;
	v22 =	vld.idx.msk [tilespmem:v20+s15+$0x0], $0xffff  }
0xe6: {  	v23 =	vadd.s32 v3, v9;
	v15 =	vmov s14;
	[tilespmem:s12+$0xFFFFFE00] =	vst v10;
	v24 =	vld.idx.msk [tilespmem:v14+s15+$0x0], $0xffff  }
0xe7: {  	v25 =	vadd.s32 v4, v9;
	v10 =	vshrl.u32 v15, $0x3;
	[tilespmem:s12+$0xFFFFFE80] =	vst v8;
	v15 =	vld.idx.msk [tilespmem:v12+s15+$0x0], $0xffff  }
0xe8: {  	v20 =	vadd.s32 v6, v9;
	v8 =	vshll.u32 v10, $0xC;
	v14 =	vld.idx.msk [tilespmem:v13+s15+$0x0], $0xffff;
	[tilespmem:s12+$0xFFFFFF00] =	vst v11  }
0xe9: {  	v19 =	vadd.s32 v7, v9;
	v13 =	vld.idx.msk [tilespmem:v18+s15+$0x0], $0xffff;
	[tilespmem:s12+$0xFFFFFF80] =	vst v17;
	v8 =	vbroadcast v8, $0x0  }
0xea: {  	v11 =	vld.idx.msk [tilespmem:v16+s15+$0x0], $0xffff;
	[tilespmem:s12+$0x0] =	vst v21;
	v18 =	vadd.s32 v2, v9  }
0xeb: {  	v12 =	vld.idx.msk [tilespmem:v23+s15+$0x0], $0xffff;
	[tilespmem:s12+$0x80] =	vst v22;
	v16 =	vadd.s32 v0, v8  }
0xec: {  	s29 =	smov.u32 s12;
	v10 =	vld.idx.msk [tilespmem:v25+s15+$0x0], $0xffff;
	v9 =	vadd.s32 v5, v8;
	v17 =	vadd.s32 v1, v8;
	[tilespmem:s12+$0x100] =	vst v24  }
.LBB2_14:
0xed: {  	s14 =	sadd.s32 $0x8, s14;
	v21 =	vld.idx.msk [tilespmem:v20+s15+$0x0], $0xffff;
	[tilespmem:s29+$0x180] =	vst v15;
	s29 =	sadd.s32 $0x1000, s29  }
0xee: {  	v22 =	vadd.s32 v3, v8;
	v15 =	vmov s14;
	p1 =	slt.u32 s14, $0x18;
	[tilespmem:s29+$0xFFFFFE00] =	vst v14;
	v23 =	vld.idx.msk [tilespmem:v19+s15+$0x0], $0xffff  }
0xef: {  	v24 =	vadd.s32 v4, v8;
	v14 =	vshrl.u32 v15, $0x3;
	[tilespmem:s29+$0xFFFFFE80] =	vst v13;
	v15 =	vld.idx.msk [tilespmem:v18+s15+$0x0], $0xffff  }
.Ltmp5:
0xf0: {  	v20 =	vadd.s32 v6, v8;
	v13 =	vshll.u32 v14, $0xC;
	v14 =	vld.idx.msk [tilespmem:v16+s15+$0x0], $0xffff;
	[tilespmem:s29+$0xFFFFFF00] =	vst v11;
	(pc) =	sbr.rel @p1 .LBB2_14-.Ltmp5, $4  }
0xf1: {  	v19 =	vadd.s32 v7, v8;
	v25 =	vbroadcast v13, $0x0;
	v13 =	vld.idx.msk [tilespmem:v17+s15+$0x0], $0xffff;
	[tilespmem:s29+$0xFFFFFF80] =	vst v12  }
0xf2: {  	v18 =	vadd.s32 v2, v8;
	v11 =	vld.idx.msk [tilespmem:v9+s15+$0x0], $0xffff;
	[tilespmem:s29+$0x0] =	vst v10  }
0xf3: {  	v16 =	vadd.s32 v0, v25;
	v9 =	vadd.s32 v5, v25;
	v12 =	vld.idx.msk [tilespmem:v22+s15+$0x0], $0xffff;
	[tilespmem:s29+$0x80] =	vst v21;
	v8 =	vmov v25  }
0xf4: {  	v17 =	vadd.s32 v1, v8;
	v10 =	vld.idx.msk [tilespmem:v24+s15+$0x0], $0xffff;
	[tilespmem:s29+$0x100] =	vst v23  }
0xf5: {  	_ =	sdelay $0x1  }
0xf6: {  	v0 =	vld [tilespmem:s11+$0x60];
	_ =	sdelay $0x1  }
0xf7: {  	v1 =	vld.idx.msk [tilespmem:v20+s15+$0x0], $0xffff;
	[tilespmem:s29+$0x180] =	vst v15;
	s14 =	sadd.s32 $0x1000, s29;
	s29 =	simm.s32 $0x0  }
0xf8: {  	v3 =	vadd.s32 v3, v8;
	v5 =	vld.idx.msk [tilespmem:v19+s15+$0x0], $0xffff;
	[tilespmem:s14+$0xFFFFFE00] =	vst v14;
	v14 =	vmov s29  }
0xf9: {  	v4 =	vadd.s32 v4, v8;
	v6 =	vadd.s32 v6, v8;
	v15 =	vld.idx.msk [tilespmem:v16+s15+$0x0], $0xffff;
	[tilespmem:s14+$0xFFFFFE80] =	vst v13;
	v14 =	vshrl.u32 v14, $0x3  }
0xfa: {  	v7 =	vadd.s32 v7, v8;
	v13 =	vld.idx.msk [tilespmem:v18+s15+$0x0], $0xffff;
	[tilespmem:s14+$0xFFFFFF00] =	vst v11;
	v14 =	vshll.u32 v14, $0xC;
	v11 =	vshll.u32 v0, $0x3  }
0xfb: {  	v16 =	vld.idx.msk [tilespmem:v17+s15+$0x0], $0xffff;
	[tilespmem:s14+$0xFFFFFF80] =	vst v12;
	v12 =	vbroadcast v14, $0x0;
	v0 =	vand.u32 $0x7F, v0;
	v11 =	vand.u32 $0xFFFFFC00, v11  }
0xfc: {  	v9 =	vld.idx.msk [tilespmem:v9+s15+$0x0], $0xffff;
	v2 =	vadd.s32 v2, v8;
	[tilespmem:s14+$0x0] =	vst v10;
	v0 =	vor.u32 v0, v11  }
0xfd: {  	v8 =	vld.idx.msk [tilespmem:v3+s15+$0x0], $0xffff;
	[tilespmem:s14+$0x80] =	vst v1;
	v1 =	vor.u32 $0x80, v0;
	v10 =	vadd.s32 v0, v12  }
0xfe: {  	[tilespmem:s14+$0x100] =	vst v5;
	v17 =	vld.idx.msk [tilespmem:v6+s15+$0x0], $0xffff;
	v5 =	vor.u32 $0x100, v0;
	v14 =	vadd.s32 v1, v12  }
0xff: {  	s29 =	simm.s32 $0x8;
	[tilespmem:s14+$0x180] =	vst v13;
	s14 =	sadd.s32 $0x1000, s14;
	v11 =	vld.idx.msk [tilespmem:v4+s15+$0x0], $0xffff;
	v3 =	vor.u32 $0x180, v0;
	v13 =	vadd.s32 v5, v12  }
0x100: {  	[tilespmem:s14+$0xFFFFFE00] =	vst v15;
	v15 =	vld.idx.msk [tilespmem:v7+s15+$0x0], $0xffff;
	v7 =	vmov s29;
	v4 =	vor.u32 $0x200, v0;
	v18 =	vadd.s32 v3, v12  }
0x101: {  	[tilespmem:s14+$0xFFFFFE80] =	vst v16;
	v16 =	vld.idx.msk [tilespmem:v2+s15+$0x0], $0xffff;
	v6 =	vor.u32 $0x280, v0;
	v2 =	vshrl.u32 v7, $0x3;
	v19 =	vadd.s32 v4, v12  }
0x102: {  	[tilespmem:s14+$0xFFFFFF00] =	vst v9;
	v7 =	vor.u32 $0x300, v0;
	v9 =	vshll.u32 v2, $0xC;
	v20 =	vadd.s32 v6, v12;
	v10 =	vld.idx.msk [tilespmem:v10+s15+$0x0], $0xffff  }
0x103: {  	v2 =	vor.u32 $0x380, v0;
	[tilespmem:s14+$0xFFFFFF80] =	vst v8;
	v9 =	vbroadcast v9, $0x0;
	v8 =	vld.idx.msk [tilespmem:v14+s15+$0x0], $0xffff;
	v14 =	vadd.s32 v7, v12  }
0x104: {  	[tilespmem:s14+$0x0] =	vst v11;
	v11 =	vld.idx.msk [tilespmem:v13+s15+$0x0], $0xffff;
	v12 =	vadd.s32 v2, v12  }
0x105: {  	[tilespmem:s14+$0x80] =	vst v17;
	v13 =	vadd.s32 v0, v9;
	v17 =	vld.idx.msk [tilespmem:v18+s15+$0x0], $0xffff  }
0x106: {  	[tilespmem:s14+$0x100] =	vst v15;
	v18 =	vadd.s32 v1, v9;
	v21 =	vld.idx.msk [tilespmem:v19+s15+$0x0], $0xffff  }
0x107: {  	[tilespmem:s14+$0x180] =	vst v16;
	v16 =	vadd.s32 v5, v9;
	s14 =	simm.s32 $0x10;
	v22 =	vld.idx.msk [tilespmem:v20+s15+$0x0], $0xffff  }
0x108: {  	v23 =	vadd.s32 v3, v9;
	v15 =	vmov s14;
	[tilespmem:s13+$0xFFFFFE00] =	vst v10;
	v24 =	vld.idx.msk [tilespmem:v14+s15+$0x0], $0xffff  }
0x109: {  	v25 =	vadd.s32 v4, v9;
	v10 =	vshrl.u32 v15, $0x3;
	[tilespmem:s13+$0xFFFFFE80] =	vst v8;
	v15 =	vld.idx.msk [tilespmem:v12+s15+$0x0], $0xffff  }
0x10a: {  	v20 =	vadd.s32 v6, v9;
	v8 =	vshll.u32 v10, $0xC;
	v14 =	vld.idx.msk [tilespmem:v13+s15+$0x0], $0xffff;
	[tilespmem:s13+$0xFFFFFF00] =	vst v11  }
0x10b: {  	v19 =	vadd.s32 v7, v9;
	v13 =	vld.idx.msk [tilespmem:v18+s15+$0x0], $0xffff;
	[tilespmem:s13+$0xFFFFFF80] =	vst v17;
	v8 =	vbroadcast v8, $0x0  }
0x10c: {  	v11 =	vld.idx.msk [tilespmem:v16+s15+$0x0], $0xffff;
	[tilespmem:s13+$0x0] =	vst v21;
	v18 =	vadd.s32 v2, v9  }
0x10d: {  	v12 =	vld.idx.msk [tilespmem:v23+s15+$0x0], $0xffff;
	[tilespmem:s13+$0x80] =	vst v22;
	v16 =	vadd.s32 v0, v8  }
0x10e: {  	s29 =	smov.u32 s13;
	v10 =	vld.idx.msk [tilespmem:v25+s15+$0x0], $0xffff;
	v9 =	vadd.s32 v5, v8;
	v17 =	vadd.s32 v1, v8;
	[tilespmem:s13+$0x100] =	vst v24  }
.LBB2_16:
0x10f: {  	s14 =	sadd.s32 $0x8, s14;
	v21 =	vld.idx.msk [tilespmem:v20+s15+$0x0], $0xffff;
	[tilespmem:s29+$0x180] =	vst v15;
	s29 =	sadd.s32 $0x1000, s29  }
0x110: {  	v22 =	vadd.s32 v3, v8;
	v15 =	vmov s14;
	p1 =	slt.u32 s14, $0x18;
	[tilespmem:s29+$0xFFFFFE00] =	vst v14;
	v23 =	vld.idx.msk [tilespmem:v19+s15+$0x0], $0xffff  }
0x111: {  	v24 =	vadd.s32 v4, v8;
	v14 =	vshrl.u32 v15, $0x3;
	[tilespmem:s29+$0xFFFFFE80] =	vst v13;
	v15 =	vld.idx.msk [tilespmem:v18+s15+$0x0], $0xffff  }
.Ltmp6:
0x112: {  	v20 =	vadd.s32 v6, v8;
	v13 =	vshll.u32 v14, $0xC;
	v14 =	vld.idx.msk [tilespmem:v16+s15+$0x0], $0xffff;
	[tilespmem:s29+$0xFFFFFF00] =	vst v11;
	(pc) =	sbr.rel @p1 .LBB2_16-.Ltmp6, $4  }
0x113: {  	v19 =	vadd.s32 v7, v8;
	v25 =	vbroadcast v13, $0x0;
	v13 =	vld.idx.msk [tilespmem:v17+s15+$0x0], $0xffff;
	[tilespmem:s29+$0xFFFFFF80] =	vst v12  }
0x114: {  	v18 =	vadd.s32 v2, v8;
	v11 =	vld.idx.msk [tilespmem:v9+s15+$0x0], $0xffff;
	[tilespmem:s29+$0x0] =	vst v10  }
0x115: {  	v16 =	vadd.s32 v0, v25;
	v9 =	vadd.s32 v5, v25;
	v12 =	vld.idx.msk [tilespmem:v22+s15+$0x0], $0xffff;
	[tilespmem:s29+$0x80] =	vst v21;
	v8 =	vmov v25  }
0x116: {  	v17 =	vadd.s32 v1, v8;
	v10 =	vld.idx.msk [tilespmem:v24+s15+$0x0], $0xffff;
	[tilespmem:s29+$0x100] =	vst v23  }
0x117: {  	_ =	sdelay $0x2  }
0x118: {  	v0 =	vld [tilespmem:s11+$0x70];
	[tilespmem:s29+$0x180] =	vst v15;
	s29 =	sadd.s32 $0x1000, s29  }
0x119: {  	v1 =	vld.idx.msk [tilespmem:v20+s15+$0x0], $0xffff;
	[tilespmem:s29+$0xFFFFFE00] =	vst v14  }
0x11a: {  	s14 =	simm.s32 $0x0;
	v3 =	vadd.s32 v3, v8;
	v5 =	vld.idx.msk [tilespmem:v19+s15+$0x0], $0xffff;
	[tilespmem:s29+$0xFFFFFE80] =	vst v13  }
0x11b: {  	v4 =	vadd.s32 v4, v8;
	v14 =	vmov s14;
	v13 =	vld.idx.msk [tilespmem:v18+s15+$0x0], $0xffff;
	[tilespmem:s29+$0xFFFFFF00] =	vst v11  }
0x11c: {  	v6 =	vadd.s32 v6, v8;
	v15 =	vld.idx.msk [tilespmem:v16+s15+$0x0], $0xffff;
	v14 =	vshrl.u32 v14, $0x3;
	[tilespmem:s29+$0xFFFFFF80] =	vst v12  }
0x11d: {  	v7 =	vadd.s32 v7, v8;
	v16 =	vld.idx.msk [tilespmem:v17+s15+$0x0], $0xffff;
	v14 =	vshll.u32 v14, $0xC;
	[tilespmem:s29+$0x0] =	vst v10;
	v11 =	vshll.u32 v0, $0x3  }
0x11e: {  	v9 =	vld.idx.msk [tilespmem:v9+s15+$0x0], $0xffff;
	v12 =	vbroadcast v14, $0x0;
	v0 =	vand.u32 $0x7F, v0;
	[tilespmem:s29+$0x80] =	vst v1;
	v11 =	vand.u32 $0xFFFFFC00, v11  }
0x11f: {  	v8 =	vadd.s32 v2, v8;
	v10 =	vld.idx.msk [tilespmem:v3+s15+$0x0], $0xffff;
	[tilespmem:s29+$0x100] =	vst v5;
	v0 =	vor.u32 v0, v11  }
0x120: {  	s11 =	sadd.s32 $0x1000, s29;
	v14 =	vld.idx.msk [tilespmem:v4+s15+$0x0], $0xffff;
	[tilespmem:s29+$0x180] =	vst v13;
	s29 =	simm.s32 $0x8;
	v1 =	vor.u32 $0x80, v0;
	v11 =	vadd.s32 v0, v12  }
0x121: {  	v18 =	vld.idx.msk [tilespmem:v6+s15+$0x0], $0xffff;
	v6 =	vmov s29;
	v3 =	vor.u32 $0x100, v0;
	v17 =	vadd.s32 v1, v12  }
0x122: {  	[tilespmem:s11+$0xFFFFFE00] =	vst v15;
	v15 =	vld.idx.msk [tilespmem:v7+s15+$0x0], $0xffff;
	v2 =	vor.u32 $0x180, v0;
	v7 =	vshrl.u32 v6, $0x3;
	v13 =	vadd.s32 v3, v12  }
0x123: {  	[tilespmem:s11+$0xFFFFFF00] =	vst v9;
	v4 =	vor.u32 $0x200, v0;
	v19 =	vadd.s32 v2, v12;
	v9 =	vshll.u32 v7, $0xC  }
0x124: {  	[tilespmem:s11+$0xFFFFFE80] =	vst v16;
	v8 =	vld.idx.msk [tilespmem:v8+s15+$0x0], $0xffff;
	v5 =	vor.u32 $0x280, v0;
	v16 =	vadd.s32 v4, v12;
	v9 =	vbroadcast v9, $0x0  }
0x125: {  	v20 =	vadd.s32 v5, v12;
	[tilespmem:s11+$0xFFFFFF80] =	vst v10;
	v11 =	vld.idx.msk [tilespmem:v11+s15+$0x0], $0xffff  }
0x126: {  	v6 =	vor.u32 $0x300, v0;
	[tilespmem:s11+$0x0] =	vst v14;
	v14 =	vadd.s32 v0, v9;
	v10 =	vld.idx.msk [tilespmem:v17+s15+$0x0], $0xffff  }
0x127: {  	v7 =	vor.u32 $0x380, v0;
	v17 =	vadd.s32 v6, v12;
	v13 =	vld.idx.msk [tilespmem:v13+s15+$0x0], $0xffff  }
0x128: {  	[tilespmem:s11+$0x80] =	vst v18;
	v12 =	vadd.s32 v7, v12;
	v18 =	vld.idx.msk [tilespmem:v19+s15+$0x0], $0xffff  }
0x129: {  	[tilespmem:s11+$0x100] =	vst v15;
	v25 =	vadd.s32 v4, v9;
	v16 =	vld.idx.msk [tilespmem:v16+s15+$0x0], $0xffff  }
0x12a: {  	[tilespmem:s11+$0x180] =	vst v8;
	s11 =	simm.s32 $0x10;
	v19 =	vadd.s32 v1, v9;
	v22 =	vld.idx.msk [tilespmem:v20+s15+$0x0], $0xffff  }
0x12b: {  	v8 =	vmov s11;
	v21 =	vadd.s32 v3, v9;
	[tilespmem:s7+$0xFFFFFE00] =	vst v11;
	v11 =	vld.idx.msk [tilespmem:v14+s15+$0x0], $0xffff  }
0x12c: {  	v23 =	vadd.s32 v2, v9;
	v8 =	vshrl.u32 v8, $0x3;
	v24 =	vld.idx.msk [tilespmem:v17+s15+$0x0], $0xffff;
	[tilespmem:s7+$0xFFFFFE80] =	vst v10  }
0x12d: {  	v8 =	vshll.u32 v8, $0xC;
	v20 =	vadd.s32 v5, v9;
	v15 =	vld.idx.msk [tilespmem:v12+s15+$0x0], $0xffff;
	[tilespmem:s7+$0xFFFFFF00] =	vst v13  }
0x12e: {  	v8 =	vbroadcast v8, $0x0;
	v14 =	vld.idx.msk [tilespmem:v25+s15+$0x0], $0xffff;
	[tilespmem:s7+$0xFFFFFF80] =	vst v18;
	v18 =	vadd.s32 v6, v9  }
0x12f: {  	v12 =	vld.idx.msk [tilespmem:v19+s15+$0x0], $0xffff;
	[tilespmem:s7+$0x0] =	vst v16;
	v17 =	vadd.s32 v7, v9  }
0x130: {  	v10 =	vld.idx.msk [tilespmem:v21+s15+$0x0], $0xffff;
	v16 =	vadd.s32 v0, v8;
	[tilespmem:s7+$0x80] =	vst v22  }
0x131: {  	s14 =	smov.u32 s7;
	v13 =	vld.idx.msk [tilespmem:v23+s15+$0x0], $0xffff;
	v9 =	vadd.s32 v3, v8;
	v19 =	vadd.s32 v1, v8;
	[tilespmem:s7+$0x100] =	vst v24  }
.LBB2_18:
0x132: {  	s11 =	sadd.s32 $0x8, s11;
	v21 =	vld.idx.msk [tilespmem:v20+s15+$0x0], $0xffff;
	[tilespmem:s14+$0x180] =	vst v15;
	s14 =	sadd.s32 $0x1000, s14  }
0x133: {  	v22 =	vadd.s32 v2, v8;
	v15 =	vmov s11;
	p1 =	slt.u32 s11, $0x18;
	[tilespmem:s14+$0xFFFFFE00] =	vst v11;
	v23 =	vld.idx.msk [tilespmem:v18+s15+$0x0], $0xffff  }
0x134: {  	v24 =	vadd.s32 v4, v8;
	v11 =	vshrl.u32 v15, $0x3;
	[tilespmem:s14+$0xFFFFFE80] =	vst v12;
	v15 =	vld.idx.msk [tilespmem:v17+s15+$0x0], $0xffff  }
.Ltmp7:
0x135: {  	v20 =	vadd.s32 v5, v8;
	v12 =	vshll.u32 v11, $0xC;
	v11 =	vld.idx.msk [tilespmem:v16+s15+$0x0], $0xffff;
	[tilespmem:s14+$0xFFFFFF00] =	vst v10;
	(pc) =	sbr.rel @p1 .LBB2_18-.Ltmp7, $4  }
0x136: {  	v18 =	vadd.s32 v6, v8;
	v25 =	vbroadcast v12, $0x0;
	v12 =	vld.idx.msk [tilespmem:v19+s15+$0x0], $0xffff;
	[tilespmem:s14+$0xFFFFFF80] =	vst v13  }
0x137: {  	v17 =	vadd.s32 v7, v8;
	v10 =	vld.idx.msk [tilespmem:v9+s15+$0x0], $0xffff;
	[tilespmem:s14+$0x0] =	vst v14  }
0x138: {  	v16 =	vadd.s32 v0, v25;
	v9 =	vadd.s32 v3, v25;
	v13 =	vld.idx.msk [tilespmem:v22+s15+$0x0], $0xffff;
	[tilespmem:s14+$0x80] =	vst v21;
	v8 =	vmov v25  }
0x139: {  	v19 =	vadd.s32 v1, v8;
	v14 =	vld.idx.msk [tilespmem:v24+s15+$0x0], $0xffff;
	[tilespmem:s14+$0x100] =	vst v23  }
0x13a: {  	_ =	sdelay $0x2  }
0x13b: {  	[tilespmem:s14+$0x180] =	vst v15;
	s11 =	sadd.s32 $0x1000, s14  }
0x13c: {  	v0 =	vld.idx.msk [tilespmem:v20+s15+$0x0], $0xffff;
	[tilespmem:s11+$0xFFFFFE00] =	vst v11  }
0x13d: {  	v1 =	vadd.s32 v2, v8;
	v55 =	vld.idx.msk [tilespmem:v18+s15+$0x0], $0xffff;
	[tilespmem:s11+$0xFFFFFE80] =	vst v12  }
0x13e: {  	v3 =	vadd.s32 v4, v8;
	v56 =	vld.idx.msk [tilespmem:v17+s15+$0x0], $0xffff;
	[tilespmem:s11+$0xFFFFFF00] =	vst v10  }
0x13f: {  	v57 =	vld.idx.msk [tilespmem:v16+s15+$0x0], $0xffff;
	v5 =	vadd.s32 v5, v8;
	[tilespmem:s11+$0xFFFFFF80] =	vst v13  }
0x140: {  	v58 =	vld.idx.msk [tilespmem:v19+s15+$0x0], $0xffff;
	v6 =	vadd.s32 v6, v8;
	[tilespmem:s11+$0x0] =	vst v14  }
0x141: {  	v9 =	vld.idx.msk [tilespmem:v9+s15+$0x0], $0xffff;
	v7 =	vadd.s32 v7, v8;
	[tilespmem:s11+$0x80] =	vst v0  }
0x142: {  	v59 =	vld.idx.msk [tilespmem:v1+s15+$0x0], $0xffff;
	[tilespmem:s11+$0x100] =	vst v55  }
0x143: {  	v60 =	vld.idx.msk [tilespmem:v3+s15+$0x0], $0xffff;
	[tilespmem:s11+$0x180] =	vst v56;
	s11 =	sadd.s32 $0x1000, s11  }
0x144: {  	v61 =	vld.idx.msk [tilespmem:v5+s15+$0x0], $0xffff;
	[tilespmem:s11+$0xFFFFFE00] =	vst v57  }
0x145: {  	v62 =	vld.idx.msk [tilespmem:v6+s15+$0x0], $0xffff;
	[tilespmem:s11+$0xFFFFFE80] =	vst v58  }
0x146: {  	p1 =	slt.u32 s8, $0x18;
	v63 =	vld.idx.msk [tilespmem:v7+s15+$0x0], $0xffff;
	[tilespmem:s11+$0xFFFFFF00] =	vst v9  }
.Ltmp8:
0x147: {  	[tilespmem:s11+$0xFFFFFF80] =	vst v59;
	(pc) =	sbr.rel @p1 .LBB2_3-.Ltmp8, $4  }
0x148: {  	[tilespmem:s11+$0x0] =	vst v60  }
0x149: {  	s8 =	sadd.s32 $0x8, s8;
	s21 =	sadd.s32 $0x400, s21;
	s30 =	sadd.s32 $0x400, s30;
	[tilespmem:s11+$0x80] =	vst v61  }
0x14a: {  	s31 =	sadd.s32 $0x400, s31;
	s2 =	sadd.s32 $0x400, s2;
	s0 =	sadd.s32 $0x400, s0;
	[tilespmem:s11+$0x100] =	vst v62  }
0x14b: {  	s12 =	sadd.s32 $0x400, s12;
	s13 =	sadd.s32 $0x400, s13;
	s7 =	sadd.s32 $0x400, s7;
	[tilespmem:s11+$0x180] =	vst v63  }
0x14c: {  	s0 =	sshll.u32 s25, $0x14;
	p1 =	sne.s32 s23, $0x1F  }
.Ltmp9:
0x14d: {  	s25 =	sadd.s32 s6, s0;
	(pc) =	sbr.rel @p1 .LBB2_22-.Ltmp9, $4  }
0x14e: {  	s0 =	sor.u32 s26, s25  }
0x14f: {  	s0 =	sshrl.u32 s0, $0x3  }
0x150: {  	s0 =	sadd.s32 s3, s0  }
0x151: {  	[hbm4b:s0+s4] =	stream.linear.scatter [tilespmem:s17], [sflag:$0x3], $0x4000, $0x38;
	[tilespmem:$0x10200] =	vst v63  }
.Ltmp10:
0x152: {  	(pc) =	sbr.rel .LBB2_23-.Ltmp10, $4  }
0x153: {  	_ = 	snop  }
0x154: {  	_ =	swait.ge [sflag:s18], $0x4000  }
0x155: {  	[sflag:s18] =	ssyncset.done $0x0  }
0x156: {  	[sflag:s18] =	ssyncadd.s32 $0xFFFFC000  }
.LBB2_22:
0x157: {  	s0 =	sadd.s32 $0x2, s28  }
0x158: {  	s2 =	sshrl.u32 s0, $0x2  }
0x159: {  	s2 =	sadd.s32 s10, s2  }
0x15a: {  	s0 =	sshll.u32 s0, $0xE;
	s2 =	sshll.u32 s2, $0x14  }
0x15b: {  	s0 =	sand.u32 $0x8000, s0;
	s2 =	sadd.s32 s6, s2  }
0x15c: {  	s0 =	sor.u32 s0, s2  }
0x15d: {  	s0 =	sshrl.u32 s0, $0x3  }
.Ltmp11:
0x15e: {  	s0 =	sadd.s32 s1, s0;
	(pc) =	sbr.rel @p0 .LBB2_24-.Ltmp11, $4  }
0x15f: {  	[tilespmem:s15], [sflag:$0x1] =	stream.linear.gather [hbm4b:s0+s4], $0x4000, $0x38;
	[tilespmem:$0x10200] =	vst v63  }
0x160: {  	_ =	swait.ge [sflag:s18], $0x4000  }
0x161: {  	[sflag:s18] =	ssyncset.done $0x0  }
0x162: {  	[sflag:s18] =	ssyncadd.s32 $0xFFFFC000  }
.LBB2_23:
0x163: {  	_ =	swait.ge [sflag:s19], $0x4000  }
0x164: {  	[sflag:s19] =	ssyncset.done $0x0  }
0x165: {  	[sflag:s19] =	ssyncadd.s32 $0xFFFFC000  }
.LBB2_24:
0x166: {  	s8 =	simm.s32 $0x0;
	s26 =	simm.s32 $0xC400;
	s28 =	simm.s32 $0xC410  }
0x167: {  	s29 =	simm.s32 $0xC420;
	s2 =	simm.s32 $0xC430;
	s0 =	simm.s32 $0xC440  }
0x168: {  	s12 =	simm.s32 $0xC450;
	s13 =	simm.s32 $0xC460;
	s7 =	simm.s32 $0xC470  }
.LBB2_25:
0x169: {  	s11 =	sshll.u32 s8, $0x4  }
0x16a: {  	s11 =	sand.u32 $0x3FFFFFF0, s11  }
0x16b: {  	v0 =	vld [tilespmem:s11+$0x0];
	_ =	sdelay $0x1  }
0x16c: {  	s14 =	simm.s32 $0x0  }
0x16d: {  	v1 =	vmov s14  }
0x16e: {  	v1 =	vshrl.u32 v1, $0x3  }
0x16f: {  	v1 =	vshll.u32 v1, $0xC;
	v2 =	vshll.u32 v0, $0x3  }
0x170: {  	v8 =	vbroadcast v1, $0x0;
	v0 =	vand.u32 $0x7F, v0;
	v2 =	vand.u32 $0xFFFFFC00, v2  }
0x171: {  	v5 =	vor.u32 v0, v2  }
0x172: {  	v6 =	vor.u32 $0x80, v5;
	v0 =	vadd.s32 v5, v8  }
0x173: {  	s31 =	simm.s32 $0x8;
	v7 =	vor.u32 $0x100, v5;
	v9 =	vadd.s32 v6, v8  }
0x174: {  	v1 =	vmov s31;
	v4 =	vor.u32 $0x180, v5;
	v10 =	vadd.s32 v7, v8  }
0x175: {  	v12 =	vshrl.u32 v1, $0x3;
	v2 =	vor.u32 $0x200, v5;
	v11 =	vadd.s32 v4, v8  }
0x176: {  	v12 =	vshll.u32 v12, $0xC;
	v3 =	vor.u32 $0x280, v5;
	v13 =	vadd.s32 v2, v8  }
0x177: {  	v12 =	vbroadcast v12, $0x0;
	v1 =	vor.u32 $0x300, v5;
	v15 =	vadd.s32 v3, v8;
	v14 =	vld.idx.msk [tilespmem:v0+s16+$0x0], $0xffff  }
0x178: {  	v16 =	vadd.s32 v1, v8;
	v9 =	vld.idx.msk [tilespmem:v9+s16+$0x0], $0xffff  }
0x179: {  	v17 =	vadd.s32 v5, v12;
	v0 =	vor.u32 $0x380, v5;
	v10 =	vld.idx.msk [tilespmem:v10+s16+$0x0], $0xffff  }
0x17a: {  	v8 =	vadd.s32 v0, v8;
	v11 =	vld.idx.msk [tilespmem:v11+s16+$0x0], $0xffff  }
0x17b: {  	v18 =	vadd.s32 v6, v12;
	v21 =	vld.idx.msk [tilespmem:v13+s16+$0x0], $0xffff  }
0x17c: {  	s14 =	simm.s32 $0x10;
	v22 =	vadd.s32 v7, v12;
	v23 =	vld.idx.msk [tilespmem:v15+s16+$0x0], $0xffff  }
0x17d: {  	v24 =	vadd.s32 v4, v12;
	v13 =	vmov s14;
	v25 =	vld.idx.msk [tilespmem:v16+s16+$0x0], $0xffff;
	[tilespmem:s26+$0xFFFFFE00] =	vst v14  }
0x17e: {  	v26 =	vadd.s32 v2, v12;
	v13 =	vshrl.u32 v13, $0x3;
	v14 =	vld.idx.msk [tilespmem:v17+s16+$0x0], $0xffff;
	[tilespmem:s26+$0xFFFFFE80] =	vst v9  }
0x17f: {  	v20 =	vadd.s32 v3, v12;
	v15 =	vld.idx.msk [tilespmem:v8+s16+$0x0], $0xffff;
	v8 =	vshll.u32 v13, $0xC;
	[tilespmem:s26+$0xFFFFFF00] =	vst v10  }
0x180: {  	v19 =	vadd.s32 v1, v12;
	v13 =	vld.idx.msk [tilespmem:v18+s16+$0x0], $0xffff;
	[tilespmem:s26+$0xFFFFFF80] =	vst v11;
	v8 =	vbroadcast v8, $0x0  }
0x181: {  	v11 =	vld.idx.msk [tilespmem:v22+s16+$0x0], $0xffff;
	[tilespmem:s26+$0x0] =	vst v21;
	v18 =	vadd.s32 v0, v12  }
0x182: {  	v12 =	vld.idx.msk [tilespmem:v24+s16+$0x0], $0xffff;
	[tilespmem:s26+$0x80] =	vst v23;
	v16 =	vadd.s32 v5, v8  }
0x183: {  	s21 =	smov.u32 s26;
	v10 =	vld.idx.msk [tilespmem:v26+s16+$0x0], $0xffff;
	[tilespmem:s26+$0x100] =	vst v25;
	v9 =	vadd.s32 v7, v8;
	v17 =	vadd.s32 v6, v8  }
.LBB2_26:
0x184: {  	s14 =	sadd.s32 $0x8, s14;
	v21 =	vld.idx.msk [tilespmem:v20+s16+$0x0], $0xffff;
	[tilespmem:s21+$0x180] =	vst v15;
	s21 =	sadd.s32 $0x1000, s21  }
0x185: {  	v22 =	vadd.s32 v4, v8;
	v15 =	vmov s14;
	p0 =	slt.u32 s14, $0x18;
	[tilespmem:s21+$0xFFFFFE00] =	vst v14;
	v23 =	vld.idx.msk [tilespmem:v19+s16+$0x0], $0xffff  }
0x186: {  	v24 =	vadd.s32 v2, v8;
	v14 =	vshrl.u32 v15, $0x3;
	[tilespmem:s21+$0xFFFFFE80] =	vst v13;
	v15 =	vld.idx.msk [tilespmem:v18+s16+$0x0], $0xffff  }
.Ltmp12:
0x187: {  	v20 =	vadd.s32 v3, v8;
	v13 =	vshll.u32 v14, $0xC;
	v14 =	vld.idx.msk [tilespmem:v16+s16+$0x0], $0xffff;
	[tilespmem:s21+$0xFFFFFF00] =	vst v11;
	(pc) =	sbr.rel @p0 .LBB2_26-.Ltmp12, $4  }
0x188: {  	v19 =	vadd.s32 v1, v8;
	v25 =	vbroadcast v13, $0x0;
	v13 =	vld.idx.msk [tilespmem:v17+s16+$0x0], $0xffff;
	[tilespmem:s21+$0xFFFFFF80] =	vst v12  }
0x189: {  	v18 =	vadd.s32 v0, v8;
	v11 =	vld.idx.msk [tilespmem:v9+s16+$0x0], $0xffff;
	[tilespmem:s21+$0x0] =	vst v10  }
0x18a: {  	v16 =	vadd.s32 v5, v25;
	v9 =	vadd.s32 v7, v25;
	v12 =	vld.idx.msk [tilespmem:v22+s16+$0x0], $0xffff;
	[tilespmem:s21+$0x80] =	vst v21;
	v8 =	vmov v25  }
0x18b: {  	v17 =	vadd.s32 v6, v8;
	v10 =	vld.idx.msk [tilespmem:v24+s16+$0x0], $0xffff;
	[tilespmem:s21+$0x100] =	vst v23  }
0x18c: {  	_ =	sdelay $0x1  }
0x18d: {  	v5 =	vld [tilespmem:s11+$0x10]  }
0x18e: {  	[tilespmem:s21+$0x180] =	vst v15;
	s14 =	sadd.s32 $0x1000, s21  }
0x18f: {  	v6 =	vld.idx.msk [tilespmem:v20+s16+$0x0], $0xffff;
	s30 =	simm.s32 $0x0;
	[tilespmem:s14+$0xFFFFFE00] =	vst v14  }
0x190: {  	v4 =	vadd.s32 v4, v8;
	v7 =	vld.idx.msk [tilespmem:v19+s16+$0x0], $0xffff;
	v14 =	vmov s30;
	[tilespmem:s14+$0xFFFFFE80] =	vst v13  }
0x191: {  	v2 =	vadd.s32 v2, v8;
	v3 =	vadd.s32 v3, v8;
	v13 =	vld.idx.msk [tilespmem:v18+s16+$0x0], $0xffff;
	v14 =	vshrl.u32 v14, $0x3;
	[tilespmem:s14+$0xFFFFFF00] =	vst v11  }
0x192: {  	v15 =	vld.idx.msk [tilespmem:v16+s16+$0x0], $0xffff;
	v11 =	vadd.s32 v1, v8;
	v14 =	vshll.u32 v14, $0xC;
	[tilespmem:s14+$0xFFFFFF80] =	vst v12;
	v1 =	vshll.u32 v5, $0x3  }
0x193: {  	v9 =	vld.idx.msk [tilespmem:v9+s16+$0x0], $0xffff;
	v12 =	vbroadcast v14, $0x0;
	[tilespmem:s14+$0x0] =	vst v10;
	v5 =	vand.u32 $0x7F, v5;
	v1 =	vand.u32 $0xFFFFFC00, v1  }
0x194: {  	v16 =	vld.idx.msk [tilespmem:v17+s16+$0x0], $0xffff;
	v8 =	vadd.s32 v0, v8;
	[tilespmem:s14+$0x80] =	vst v6;
	v0 =	vor.u32 v5, v1  }
0x195: {  	s31 =	simm.s32 $0x8;
	v10 =	vld.idx.msk [tilespmem:v4+s16+$0x0], $0xffff;
	[tilespmem:s14+$0x100] =	vst v7;
	v1 =	vor.u32 $0x80, v0;
	v14 =	vadd.s32 v0, v12  }
0x196: {  	v17 =	vld.idx.msk [tilespmem:v2+s16+$0x0], $0xffff;
	v2 =	vmov s31;
	[tilespmem:s14+$0x180] =	vst v13;
	s14 =	sadd.s32 $0x1000, s14;
	v5 =	vor.u32 $0x100, v0;
	v18 =	vadd.s32 v1, v12  }
0x197: {  	v19 =	vld.idx.msk [tilespmem:v3+s16+$0x0], $0xffff;
	v2 =	vshrl.u32 v2, $0x3;
	[tilespmem:s14+$0xFFFFFE00] =	vst v15;
	v3 =	vor.u32 $0x180, v0;
	v13 =	vadd.s32 v5, v12  }
0x198: {  	v11 =	vld.idx.msk [tilespmem:v11+s16+$0x0], $0xffff;
	[tilespmem:s14+$0xFFFFFF00] =	vst v9;
	v9 =	vshll.u32 v2, $0xC;
	v4 =	vor.u32 $0x200, v0;
	v15 =	vadd.s32 v3, v12  }
0x199: {  	[tilespmem:s14+$0xFFFFFE80] =	vst v16;
	v8 =	vld.idx.msk [tilespmem:v8+s16+$0x0], $0xffff;
	v6 =	vor.u32 $0x280, v0;
	v9 =	vbroadcast v9, $0x0;
	v16 =	vadd.s32 v4, v12  }
0x19a: {  	v20 =	vadd.s32 v6, v12;
	[tilespmem:s14+$0xFFFFFF80] =	vst v10;
	v14 =	vld.idx.msk [tilespmem:v14+s16+$0x0], $0xffff  }
0x19b: {  	v7 =	vor.u32 $0x300, v0;
	[tilespmem:s14+$0x0] =	vst v17;
	v17 =	vadd.s32 v0, v9;
	v10 =	vld.idx.msk [tilespmem:v18+s16+$0x0], $0xffff  }
0x19c: {  	v2 =	vor.u32 $0x380, v0;
	v18 =	vadd.s32 v7, v12;
	v13 =	vld.idx.msk [tilespmem:v13+s16+$0x0], $0xffff  }
0x19d: {  	[tilespmem:s14+$0x80] =	vst v19;
	v12 =	vadd.s32 v2, v12;
	v19 =	vld.idx.msk [tilespmem:v15+s16+$0x0], $0xffff  }
0x19e: {  	[tilespmem:s14+$0x100] =	vst v11;
	v11 =	vadd.s32 v1, v9;
	v16 =	vld.idx.msk [tilespmem:v16+s16+$0x0], $0xffff  }
0x19f: {  	v21 =	vadd.s32 v5, v9;
	[tilespmem:s14+$0x180] =	vst v8;
	s14 =	simm.s32 $0x10;
	v22 =	vld.idx.msk [tilespmem:v20+s16+$0x0], $0xffff  }
0x1a0: {  	v23 =	vadd.s32 v3, v9;
	v8 =	vmov s14;
	[tilespmem:s28+$0xFFFFFE00] =	vst v14;
	v14 =	vld.idx.msk [tilespmem:v17+s16+$0x0], $0xffff  }
0x1a1: {  	v25 =	vadd.s32 v4, v9;
	v8 =	vshrl.u32 v8, $0x3;
	v24 =	vld.idx.msk [tilespmem:v18+s16+$0x0], $0xffff;
	[tilespmem:s28+$0xFFFFFE80] =	vst v10  }
0x1a2: {  	v20 =	vadd.s32 v6, v9;
	v8 =	vshll.u32 v8, $0xC;
	v15 =	vld.idx.msk [tilespmem:v12+s16+$0x0], $0xffff;
	[tilespmem:s28+$0xFFFFFF00] =	vst v13  }
0x1a3: {  	v8 =	vbroadcast v8, $0x0;
	v13 =	vld.idx.msk [tilespmem:v11+s16+$0x0], $0xffff;
	[tilespmem:s28+$0xFFFFFF80] =	vst v19;
	v19 =	vadd.s32 v7, v9  }
0x1a4: {  	v11 =	vld.idx.msk [tilespmem:v21+s16+$0x0], $0xffff;
	[tilespmem:s28+$0x0] =	vst v16;
	v18 =	vadd.s32 v2, v9  }
0x1a5: {  	v16 =	vadd.s32 v0, v8;
	v12 =	vld.idx.msk [tilespmem:v23+s16+$0x0], $0xffff;
	[tilespmem:s28+$0x80] =	vst v22  }
0x1a6: {  	s21 =	smov.u32 s28;
	v17 =	vadd.s32 v1, v8;
	v9 =	vadd.s32 v5, v8;
	v10 =	vld.idx.msk [tilespmem:v25+s16+$0x0], $0xffff;
	[tilespmem:s28+$0x100] =	vst v24  }
.LBB2_28:
0x1a7: {  	s14 =	sadd.s32 $0x8, s14;
	v21 =	vld.idx.msk [tilespmem:v20+s16+$0x0], $0xffff;
	[tilespmem:s21+$0x180] =	vst v15;
	s21 =	sadd.s32 $0x1000, s21  }
0x1a8: {  	v22 =	vadd.s32 v3, v8;
	v15 =	vmov s14;
	p0 =	slt.u32 s14, $0x18;
	[tilespmem:s21+$0xFFFFFE00] =	vst v14;
	v23 =	vld.idx.msk [tilespmem:v19+s16+$0x0], $0xffff  }
0x1a9: {  	v24 =	vadd.s32 v4, v8;
	v14 =	vshrl.u32 v15, $0x3;
	[tilespmem:s21+$0xFFFFFE80] =	vst v13;
	v15 =	vld.idx.msk [tilespmem:v18+s16+$0x0], $0xffff  }
.Ltmp13:
0x1aa: {  	v20 =	vadd.s32 v6, v8;
	v13 =	vshll.u32 v14, $0xC;
	v14 =	vld.idx.msk [tilespmem:v16+s16+$0x0], $0xffff;
	[tilespmem:s21+$0xFFFFFF00] =	vst v11;
	(pc) =	sbr.rel @p0 .LBB2_28-.Ltmp13, $4  }
0x1ab: {  	v19 =	vadd.s32 v7, v8;
	v25 =	vbroadcast v13, $0x0;
	v13 =	vld.idx.msk [tilespmem:v17+s16+$0x0], $0xffff;
	[tilespmem:s21+$0xFFFFFF80] =	vst v12  }
0x1ac: {  	v18 =	vadd.s32 v2, v8;
	v11 =	vld.idx.msk [tilespmem:v9+s16+$0x0], $0xffff;
	[tilespmem:s21+$0x0] =	vst v10  }
0x1ad: {  	v16 =	vadd.s32 v0, v25;
	v9 =	vadd.s32 v5, v25;
	v12 =	vld.idx.msk [tilespmem:v22+s16+$0x0], $0xffff;
	[tilespmem:s21+$0x80] =	vst v21;
	v8 =	vmov v25  }
0x1ae: {  	v17 =	vadd.s32 v1, v8;
	v10 =	vld.idx.msk [tilespmem:v24+s16+$0x0], $0xffff;
	[tilespmem:s21+$0x100] =	vst v23  }
0x1af: {  	_ =	sdelay $0x1  }
0x1b0: {  	v0 =	vld [tilespmem:s11+$0x20];
	_ =	sdelay $0x1  }
0x1b1: {  	v1 =	vld.idx.msk [tilespmem:v20+s16+$0x0], $0xffff;
	[tilespmem:s21+$0x180] =	vst v15;
	s14 =	sadd.s32 $0x1000, s21;
	s30 =	simm.s32 $0x0  }
0x1b2: {  	v3 =	vadd.s32 v3, v8;
	v5 =	vld.idx.msk [tilespmem:v19+s16+$0x0], $0xffff;
	[tilespmem:s14+$0xFFFFFE00] =	vst v14;
	v14 =	vmov s30  }
0x1b3: {  	v4 =	vadd.s32 v4, v8;
	v6 =	vadd.s32 v6, v8;
	v15 =	vld.idx.msk [tilespmem:v16+s16+$0x0], $0xffff;
	[tilespmem:s14+$0xFFFFFE80] =	vst v13;
	v14 =	vshrl.u32 v14, $0x3  }
0x1b4: {  	v7 =	vadd.s32 v7, v8;
	v13 =	vld.idx.msk [tilespmem:v18+s16+$0x0], $0xffff;
	[tilespmem:s14+$0xFFFFFF00] =	vst v11;
	v14 =	vshll.u32 v14, $0xC;
	v11 =	vshll.u32 v0, $0x3  }
0x1b5: {  	v16 =	vld.idx.msk [tilespmem:v17+s16+$0x0], $0xffff;
	[tilespmem:s14+$0xFFFFFF80] =	vst v12;
	v12 =	vbroadcast v14, $0x0;
	v0 =	vand.u32 $0x7F, v0;
	v11 =	vand.u32 $0xFFFFFC00, v11  }
0x1b6: {  	v9 =	vld.idx.msk [tilespmem:v9+s16+$0x0], $0xffff;
	v2 =	vadd.s32 v2, v8;
	[tilespmem:s14+$0x0] =	vst v10;
	v0 =	vor.u32 v0, v11  }
0x1b7: {  	v8 =	vld.idx.msk [tilespmem:v3+s16+$0x0], $0xffff;
	[tilespmem:s14+$0x80] =	vst v1;
	v1 =	vor.u32 $0x80, v0;
	v10 =	vadd.s32 v0, v12  }
0x1b8: {  	[tilespmem:s14+$0x100] =	vst v5;
	v17 =	vld.idx.msk [tilespmem:v6+s16+$0x0], $0xffff;
	v5 =	vor.u32 $0x100, v0;
	v14 =	vadd.s32 v1, v12  }
0x1b9: {  	s31 =	simm.s32 $0x8;
	[tilespmem:s14+$0x180] =	vst v13;
	s14 =	sadd.s32 $0x1000, s14;
	v11 =	vld.idx.msk [tilespmem:v4+s16+$0x0], $0xffff;
	v3 =	vor.u32 $0x180, v0;
	v13 =	vadd.s32 v5, v12  }
0x1ba: {  	[tilespmem:s14+$0xFFFFFE00] =	vst v15;
	v15 =	vld.idx.msk [tilespmem:v7+s16+$0x0], $0xffff;
	v7 =	vmov s31;
	v4 =	vor.u32 $0x200, v0;
	v18 =	vadd.s32 v3, v12  }
0x1bb: {  	[tilespmem:s14+$0xFFFFFE80] =	vst v16;
	v16 =	vld.idx.msk [tilespmem:v2+s16+$0x0], $0xffff;
	v6 =	vor.u32 $0x280, v0;
	v2 =	vshrl.u32 v7, $0x3;
	v19 =	vadd.s32 v4, v12  }
0x1bc: {  	[tilespmem:s14+$0xFFFFFF00] =	vst v9;
	v7 =	vor.u32 $0x300, v0;
	v9 =	vshll.u32 v2, $0xC;
	v20 =	vadd.s32 v6, v12;
	v10 =	vld.idx.msk [tilespmem:v10+s16+$0x0], $0xffff  }
0x1bd: {  	v2 =	vor.u32 $0x380, v0;
	[tilespmem:s14+$0xFFFFFF80] =	vst v8;
	v9 =	vbroadcast v9, $0x0;
	v8 =	vld.idx.msk [tilespmem:v14+s16+$0x0], $0xffff;
	v14 =	vadd.s32 v7, v12  }
0x1be: {  	[tilespmem:s14+$0x0] =	vst v11;
	v11 =	vld.idx.msk [tilespmem:v13+s16+$0x0], $0xffff;
	v12 =	vadd.s32 v2, v12  }
0x1bf: {  	[tilespmem:s14+$0x80] =	vst v17;
	v13 =	vadd.s32 v0, v9;
	v17 =	vld.idx.msk [tilespmem:v18+s16+$0x0], $0xffff  }
0x1c0: {  	[tilespmem:s14+$0x100] =	vst v15;
	v18 =	vadd.s32 v1, v9;
	v21 =	vld.idx.msk [tilespmem:v19+s16+$0x0], $0xffff  }
0x1c1: {  	[tilespmem:s14+$0x180] =	vst v16;
	v16 =	vadd.s32 v5, v9;
	s14 =	simm.s32 $0x10;
	v22 =	vld.idx.msk [tilespmem:v20+s16+$0x0], $0xffff  }
0x1c2: {  	v23 =	vadd.s32 v3, v9;
	v15 =	vmov s14;
	[tilespmem:s29+$0xFFFFFE00] =	vst v10;
	v24 =	vld.idx.msk [tilespmem:v14+s16+$0x0], $0xffff  }
0x1c3: {  	v25 =	vadd.s32 v4, v9;
	v10 =	vshrl.u32 v15, $0x3;
	[tilespmem:s29+$0xFFFFFE80] =	vst v8;
	v15 =	vld.idx.msk [tilespmem:v12+s16+$0x0], $0xffff  }
0x1c4: {  	v20 =	vadd.s32 v6, v9;
	v8 =	vshll.u32 v10, $0xC;
	v14 =	vld.idx.msk [tilespmem:v13+s16+$0x0], $0xffff;
	[tilespmem:s29+$0xFFFFFF00] =	vst v11  }
0x1c5: {  	v19 =	vadd.s32 v7, v9;
	v13 =	vld.idx.msk [tilespmem:v18+s16+$0x0], $0xffff;
	[tilespmem:s29+$0xFFFFFF80] =	vst v17;
	v8 =	vbroadcast v8, $0x0  }
0x1c6: {  	v11 =	vld.idx.msk [tilespmem:v16+s16+$0x0], $0xffff;
	[tilespmem:s29+$0x0] =	vst v21;
	v18 =	vadd.s32 v2, v9  }
0x1c7: {  	v12 =	vld.idx.msk [tilespmem:v23+s16+$0x0], $0xffff;
	[tilespmem:s29+$0x80] =	vst v22;
	v16 =	vadd.s32 v0, v8  }
0x1c8: {  	s21 =	smov.u32 s29;
	v10 =	vld.idx.msk [tilespmem:v25+s16+$0x0], $0xffff;
	v9 =	vadd.s32 v5, v8;
	v17 =	vadd.s32 v1, v8;
	[tilespmem:s29+$0x100] =	vst v24  }
.LBB2_30:
0x1c9: {  	s14 =	sadd.s32 $0x8, s14;
	v21 =	vld.idx.msk [tilespmem:v20+s16+$0x0], $0xffff;
	[tilespmem:s21+$0x180] =	vst v15;
	s21 =	sadd.s32 $0x1000, s21  }
0x1ca: {  	v22 =	vadd.s32 v3, v8;
	v15 =	vmov s14;
	p0 =	slt.u32 s14, $0x18;
	[tilespmem:s21+$0xFFFFFE00] =	vst v14;
	v23 =	vld.idx.msk [tilespmem:v19+s16+$0x0], $0xffff  }
0x1cb: {  	v24 =	vadd.s32 v4, v8;
	v14 =	vshrl.u32 v15, $0x3;
	[tilespmem:s21+$0xFFFFFE80] =	vst v13;
	v15 =	vld.idx.msk [tilespmem:v18+s16+$0x0], $0xffff  }
.Ltmp14:
0x1cc: {  	v20 =	vadd.s32 v6, v8;
	v13 =	vshll.u32 v14, $0xC;
	v14 =	vld.idx.msk [tilespmem:v16+s16+$0x0], $0xffff;
	[tilespmem:s21+$0xFFFFFF00] =	vst v11;
	(pc) =	sbr.rel @p0 .LBB2_30-.Ltmp14, $4  }
0x1cd: {  	v19 =	vadd.s32 v7, v8;
	v25 =	vbroadcast v13, $0x0;
	v13 =	vld.idx.msk [tilespmem:v17+s16+$0x0], $0xffff;
	[tilespmem:s21+$0xFFFFFF80] =	vst v12  }
0x1ce: {  	v18 =	vadd.s32 v2, v8;
	v11 =	vld.idx.msk [tilespmem:v9+s16+$0x0], $0xffff;
	[tilespmem:s21+$0x0] =	vst v10  }
0x1cf: {  	v16 =	vadd.s32 v0, v25;
	v9 =	vadd.s32 v5, v25;
	v12 =	vld.idx.msk [tilespmem:v22+s16+$0x0], $0xffff;
	[tilespmem:s21+$0x80] =	vst v21;
	v8 =	vmov v25  }
0x1d0: {  	v17 =	vadd.s32 v1, v8;
	v10 =	vld.idx.msk [tilespmem:v24+s16+$0x0], $0xffff;
	[tilespmem:s21+$0x100] =	vst v23  }
0x1d1: {  	_ =	sdelay $0x1  }
0x1d2: {  	v0 =	vld [tilespmem:s11+$0x30];
	_ =	sdelay $0x1  }
0x1d3: {  	v1 =	vld.idx.msk [tilespmem:v20+s16+$0x0], $0xffff;
	[tilespmem:s21+$0x180] =	vst v15;
	s14 =	sadd.s32 $0x1000, s21;
	s30 =	simm.s32 $0x0  }
0x1d4: {  	v3 =	vadd.s32 v3, v8;
	v5 =	vld.idx.msk [tilespmem:v19+s16+$0x0], $0xffff;
	[tilespmem:s14+$0xFFFFFE00] =	vst v14;
	v14 =	vmov s30  }
0x1d5: {  	v4 =	vadd.s32 v4, v8;
	v6 =	vadd.s32 v6, v8;
	v15 =	vld.idx.msk [tilespmem:v16+s16+$0x0], $0xffff;
	[tilespmem:s14+$0xFFFFFE80] =	vst v13;
	v14 =	vshrl.u32 v14, $0x3  }
0x1d6: {  	v7 =	vadd.s32 v7, v8;
	v13 =	vld.idx.msk [tilespmem:v18+s16+$0x0], $0xffff;
	[tilespmem:s14+$0xFFFFFF00] =	vst v11;
	v14 =	vshll.u32 v14, $0xC;
	v11 =	vshll.u32 v0, $0x3  }
0x1d7: {  	v16 =	vld.idx.msk [tilespmem:v17+s16+$0x0], $0xffff;
	[tilespmem:s14+$0xFFFFFF80] =	vst v12;
	v12 =	vbroadcast v14, $0x0;
	v0 =	vand.u32 $0x7F, v0;
	v11 =	vand.u32 $0xFFFFFC00, v11  }
0x1d8: {  	v9 =	vld.idx.msk [tilespmem:v9+s16+$0x0], $0xffff;
	v2 =	vadd.s32 v2, v8;
	[tilespmem:s14+$0x0] =	vst v10;
	v0 =	vor.u32 v0, v11  }
0x1d9: {  	v8 =	vld.idx.msk [tilespmem:v3+s16+$0x0], $0xffff;
	[tilespmem:s14+$0x80] =	vst v1;
	v1 =	vor.u32 $0x80, v0;
	v10 =	vadd.s32 v0, v12  }
0x1da: {  	[tilespmem:s14+$0x100] =	vst v5;
	v17 =	vld.idx.msk [tilespmem:v6+s16+$0x0], $0xffff;
	v5 =	vor.u32 $0x100, v0;
	v14 =	vadd.s32 v1, v12  }
0x1db: {  	s31 =	simm.s32 $0x8;
	[tilespmem:s14+$0x180] =	vst v13;
	s14 =	sadd.s32 $0x1000, s14;
	v11 =	vld.idx.msk [tilespmem:v4+s16+$0x0], $0xffff;
	v3 =	vor.u32 $0x180, v0;
	v13 =	vadd.s32 v5, v12  }
0x1dc: {  	[tilespmem:s14+$0xFFFFFE00] =	vst v15;
	v15 =	vld.idx.msk [tilespmem:v7+s16+$0x0], $0xffff;
	v7 =	vmov s31;
	v4 =	vor.u32 $0x200, v0;
	v18 =	vadd.s32 v3, v12  }
0x1dd: {  	[tilespmem:s14+$0xFFFFFE80] =	vst v16;
	v16 =	vld.idx.msk [tilespmem:v2+s16+$0x0], $0xffff;
	v6 =	vor.u32 $0x280, v0;
	v2 =	vshrl.u32 v7, $0x3;
	v19 =	vadd.s32 v4, v12  }
0x1de: {  	[tilespmem:s14+$0xFFFFFF00] =	vst v9;
	v7 =	vor.u32 $0x300, v0;
	v9 =	vshll.u32 v2, $0xC;
	v20 =	vadd.s32 v6, v12;
	v10 =	vld.idx.msk [tilespmem:v10+s16+$0x0], $0xffff  }
0x1df: {  	v2 =	vor.u32 $0x380, v0;
	[tilespmem:s14+$0xFFFFFF80] =	vst v8;
	v9 =	vbroadcast v9, $0x0;
	v8 =	vld.idx.msk [tilespmem:v14+s16+$0x0], $0xffff;
	v14 =	vadd.s32 v7, v12  }
0x1e0: {  	[tilespmem:s14+$0x0] =	vst v11;
	v11 =	vld.idx.msk [tilespmem:v13+s16+$0x0], $0xffff;
	v12 =	vadd.s32 v2, v12  }
0x1e1: {  	[tilespmem:s14+$0x80] =	vst v17;
	v13 =	vadd.s32 v0, v9;
	v17 =	vld.idx.msk [tilespmem:v18+s16+$0x0], $0xffff  }
0x1e2: {  	[tilespmem:s14+$0x100] =	vst v15;
	v18 =	vadd.s32 v1, v9;
	v21 =	vld.idx.msk [tilespmem:v19+s16+$0x0], $0xffff  }
0x1e3: {  	[tilespmem:s14+$0x180] =	vst v16;
	v16 =	vadd.s32 v5, v9;
	s14 =	simm.s32 $0x10;
	v22 =	vld.idx.msk [tilespmem:v20+s16+$0x0], $0xffff  }
0x1e4: {  	v23 =	vadd.s32 v3, v9;
	v15 =	vmov s14;
	[tilespmem:s2+$0xFFFFFE00] =	vst v10;
	v24 =	vld.idx.msk [tilespmem:v14+s16+$0x0], $0xffff  }
0x1e5: {  	v25 =	vadd.s32 v4, v9;
	v10 =	vshrl.u32 v15, $0x3;
	[tilespmem:s2+$0xFFFFFE80] =	vst v8;
	v15 =	vld.idx.msk [tilespmem:v12+s16+$0x0], $0xffff  }
0x1e6: {  	v20 =	vadd.s32 v6, v9;
	v8 =	vshll.u32 v10, $0xC;
	v14 =	vld.idx.msk [tilespmem:v13+s16+$0x0], $0xffff;
	[tilespmem:s2+$0xFFFFFF00] =	vst v11  }
0x1e7: {  	v19 =	vadd.s32 v7, v9;
	v13 =	vld.idx.msk [tilespmem:v18+s16+$0x0], $0xffff;
	[tilespmem:s2+$0xFFFFFF80] =	vst v17;
	v8 =	vbroadcast v8, $0x0  }
0x1e8: {  	v11 =	vld.idx.msk [tilespmem:v16+s16+$0x0], $0xffff;
	[tilespmem:s2+$0x0] =	vst v21;
	v18 =	vadd.s32 v2, v9  }
0x1e9: {  	v12 =	vld.idx.msk [tilespmem:v23+s16+$0x0], $0xffff;
	[tilespmem:s2+$0x80] =	vst v22;
	v16 =	vadd.s32 v0, v8  }
0x1ea: {  	s21 =	smov.u32 s2;
	v10 =	vld.idx.msk [tilespmem:v25+s16+$0x0], $0xffff;
	v9 =	vadd.s32 v5, v8;
	v17 =	vadd.s32 v1, v8;
	[tilespmem:s2+$0x100] =	vst v24  }
.LBB2_32:
0x1eb: {  	s14 =	sadd.s32 $0x8, s14;
	v21 =	vld.idx.msk [tilespmem:v20+s16+$0x0], $0xffff;
	[tilespmem:s21+$0x180] =	vst v15;
	s21 =	sadd.s32 $0x1000, s21  }
0x1ec: {  	v22 =	vadd.s32 v3, v8;
	v15 =	vmov s14;
	p0 =	slt.u32 s14, $0x18;
	[tilespmem:s21+$0xFFFFFE00] =	vst v14;
	v23 =	vld.idx.msk [tilespmem:v19+s16+$0x0], $0xffff  }
0x1ed: {  	v24 =	vadd.s32 v4, v8;
	v14 =	vshrl.u32 v15, $0x3;
	[tilespmem:s21+$0xFFFFFE80] =	vst v13;
	v15 =	vld.idx.msk [tilespmem:v18+s16+$0x0], $0xffff  }
.Ltmp15:
0x1ee: {  	v20 =	vadd.s32 v6, v8;
	v13 =	vshll.u32 v14, $0xC;
	v14 =	vld.idx.msk [tilespmem:v16+s16+$0x0], $0xffff;
	[tilespmem:s21+$0xFFFFFF00] =	vst v11;
	(pc) =	sbr.rel @p0 .LBB2_32-.Ltmp15, $4  }
0x1ef: {  	v19 =	vadd.s32 v7, v8;
	v25 =	vbroadcast v13, $0x0;
	v13 =	vld.idx.msk [tilespmem:v17+s16+$0x0], $0xffff;
	[tilespmem:s21+$0xFFFFFF80] =	vst v12  }
0x1f0: {  	v18 =	vadd.s32 v2, v8;
	v11 =	vld.idx.msk [tilespmem:v9+s16+$0x0], $0xffff;
	[tilespmem:s21+$0x0] =	vst v10  }
0x1f1: {  	v16 =	vadd.s32 v0, v25;
	v9 =	vadd.s32 v5, v25;
	v12 =	vld.idx.msk [tilespmem:v22+s16+$0x0], $0xffff;
	[tilespmem:s21+$0x80] =	vst v21;
	v8 =	vmov v25  }
0x1f2: {  	v17 =	vadd.s32 v1, v8;
	v10 =	vld.idx.msk [tilespmem:v24+s16+$0x0], $0xffff;
	[tilespmem:s21+$0x100] =	vst v23  }
0x1f3: {  	_ =	sdelay $0x1  }
0x1f4: {  	v0 =	vld [tilespmem:s11+$0x40];
	_ =	sdelay $0x1  }
0x1f5: {  	v1 =	vld.idx.msk [tilespmem:v20+s16+$0x0], $0xffff;
	[tilespmem:s21+$0x180] =	vst v15;
	s14 =	sadd.s32 $0x1000, s21;
	s30 =	simm.s32 $0x0  }
0x1f6: {  	v3 =	vadd.s32 v3, v8;
	v5 =	vld.idx.msk [tilespmem:v19+s16+$0x0], $0xffff;
	[tilespmem:s14+$0xFFFFFE00] =	vst v14;
	v14 =	vmov s30  }
0x1f7: {  	v4 =	vadd.s32 v4, v8;
	v6 =	vadd.s32 v6, v8;
	v15 =	vld.idx.msk [tilespmem:v16+s16+$0x0], $0xffff;
	[tilespmem:s14+$0xFFFFFE80] =	vst v13;
	v14 =	vshrl.u32 v14, $0x3  }
0x1f8: {  	v7 =	vadd.s32 v7, v8;
	v13 =	vld.idx.msk [tilespmem:v18+s16+$0x0], $0xffff;
	[tilespmem:s14+$0xFFFFFF00] =	vst v11;
	v14 =	vshll.u32 v14, $0xC;
	v11 =	vshll.u32 v0, $0x3  }
0x1f9: {  	v16 =	vld.idx.msk [tilespmem:v17+s16+$0x0], $0xffff;
	[tilespmem:s14+$0xFFFFFF80] =	vst v12;
	v12 =	vbroadcast v14, $0x0;
	v0 =	vand.u32 $0x7F, v0;
	v11 =	vand.u32 $0xFFFFFC00, v11  }
0x1fa: {  	v9 =	vld.idx.msk [tilespmem:v9+s16+$0x0], $0xffff;
	v2 =	vadd.s32 v2, v8;
	[tilespmem:s14+$0x0] =	vst v10;
	v0 =	vor.u32 v0, v11  }
0x1fb: {  	v8 =	vld.idx.msk [tilespmem:v3+s16+$0x0], $0xffff;
	[tilespmem:s14+$0x80] =	vst v1;
	v1 =	vor.u32 $0x80, v0;
	v10 =	vadd.s32 v0, v12  }
0x1fc: {  	[tilespmem:s14+$0x100] =	vst v5;
	v17 =	vld.idx.msk [tilespmem:v6+s16+$0x0], $0xffff;
	v5 =	vor.u32 $0x100, v0;
	v14 =	vadd.s32 v1, v12  }
0x1fd: {  	s31 =	simm.s32 $0x8;
	[tilespmem:s14+$0x180] =	vst v13;
	s14 =	sadd.s32 $0x1000, s14;
	v11 =	vld.idx.msk [tilespmem:v4+s16+$0x0], $0xffff;
	v3 =	vor.u32 $0x180, v0;
	v13 =	vadd.s32 v5, v12  }
0x1fe: {  	[tilespmem:s14+$0xFFFFFE00] =	vst v15;
	v15 =	vld.idx.msk [tilespmem:v7+s16+$0x0], $0xffff;
	v7 =	vmov s31;
	v4 =	vor.u32 $0x200, v0;
	v18 =	vadd.s32 v3, v12  }
0x1ff: {  	[tilespmem:s14+$0xFFFFFE80] =	vst v16;
	v16 =	vld.idx.msk [tilespmem:v2+s16+$0x0], $0xffff;
	v6 =	vor.u32 $0x280, v0;
	v2 =	vshrl.u32 v7, $0x3;
	v19 =	vadd.s32 v4, v12  }
0x200: {  	[tilespmem:s14+$0xFFFFFF00] =	vst v9;
	v7 =	vor.u32 $0x300, v0;
	v9 =	vshll.u32 v2, $0xC;
	v20 =	vadd.s32 v6, v12;
	v10 =	vld.idx.msk [tilespmem:v10+s16+$0x0], $0xffff  }
0x201: {  	v2 =	vor.u32 $0x380, v0;
	[tilespmem:s14+$0xFFFFFF80] =	vst v8;
	v9 =	vbroadcast v9, $0x0;
	v8 =	vld.idx.msk [tilespmem:v14+s16+$0x0], $0xffff;
	v14 =	vadd.s32 v7, v12  }
0x202: {  	[tilespmem:s14+$0x0] =	vst v11;
	v11 =	vld.idx.msk [tilespmem:v13+s16+$0x0], $0xffff;
	v12 =	vadd.s32 v2, v12  }
0x203: {  	[tilespmem:s14+$0x80] =	vst v17;
	v13 =	vadd.s32 v0, v9;
	v17 =	vld.idx.msk [tilespmem:v18+s16+$0x0], $0xffff  }
0x204: {  	[tilespmem:s14+$0x100] =	vst v15;
	v18 =	vadd.s32 v1, v9;
	v21 =	vld.idx.msk [tilespmem:v19+s16+$0x0], $0xffff  }
0x205: {  	[tilespmem:s14+$0x180] =	vst v16;
	v16 =	vadd.s32 v5, v9;
	s14 =	simm.s32 $0x10;
	v22 =	vld.idx.msk [tilespmem:v20+s16+$0x0], $0xffff  }
0x206: {  	v23 =	vadd.s32 v3, v9;
	v15 =	vmov s14;
	[tilespmem:s0+$0xFFFFFE00] =	vst v10;
	v24 =	vld.idx.msk [tilespmem:v14+s16+$0x0], $0xffff  }
0x207: {  	v25 =	vadd.s32 v4, v9;
	v10 =	vshrl.u32 v15, $0x3;
	[tilespmem:s0+$0xFFFFFE80] =	vst v8;
	v15 =	vld.idx.msk [tilespmem:v12+s16+$0x0], $0xffff  }
0x208: {  	v20 =	vadd.s32 v6, v9;
	v8 =	vshll.u32 v10, $0xC;
	v14 =	vld.idx.msk [tilespmem:v13+s16+$0x0], $0xffff;
	[tilespmem:s0+$0xFFFFFF00] =	vst v11  }
0x209: {  	v19 =	vadd.s32 v7, v9;
	v13 =	vld.idx.msk [tilespmem:v18+s16+$0x0], $0xffff;
	[tilespmem:s0+$0xFFFFFF80] =	vst v17;
	v8 =	vbroadcast v8, $0x0  }
0x20a: {  	v11 =	vld.idx.msk [tilespmem:v16+s16+$0x0], $0xffff;
	[tilespmem:s0+$0x0] =	vst v21;
	v18 =	vadd.s32 v2, v9  }
0x20b: {  	v12 =	vld.idx.msk [tilespmem:v23+s16+$0x0], $0xffff;
	[tilespmem:s0+$0x80] =	vst v22;
	v16 =	vadd.s32 v0, v8  }
0x20c: {  	s21 =	smov.u32 s0;
	v10 =	vld.idx.msk [tilespmem:v25+s16+$0x0], $0xffff;
	v9 =	vadd.s32 v5, v8;
	v17 =	vadd.s32 v1, v8;
	[tilespmem:s0+$0x100] =	vst v24  }
.LBB2_34:
0x20d: {  	s14 =	sadd.s32 $0x8, s14;
	v21 =	vld.idx.msk [tilespmem:v20+s16+$0x0], $0xffff;
	[tilespmem:s21+$0x180] =	vst v15;
	s21 =	sadd.s32 $0x1000, s21  }
0x20e: {  	v22 =	vadd.s32 v3, v8;
	v15 =	vmov s14;
	p0 =	slt.u32 s14, $0x18;
	[tilespmem:s21+$0xFFFFFE00] =	vst v14;
	v23 =	vld.idx.msk [tilespmem:v19+s16+$0x0], $0xffff  }
0x20f: {  	v24 =	vadd.s32 v4, v8;
	v14 =	vshrl.u32 v15, $0x3;
	[tilespmem:s21+$0xFFFFFE80] =	vst v13;
	v15 =	vld.idx.msk [tilespmem:v18+s16+$0x0], $0xffff  }
.Ltmp16:
0x210: {  	v20 =	vadd.s32 v6, v8;
	v13 =	vshll.u32 v14, $0xC;
	v14 =	vld.idx.msk [tilespmem:v16+s16+$0x0], $0xffff;
	[tilespmem:s21+$0xFFFFFF00] =	vst v11;
	(pc) =	sbr.rel @p0 .LBB2_34-.Ltmp16, $4  }
0x211: {  	v19 =	vadd.s32 v7, v8;
	v25 =	vbroadcast v13, $0x0;
	v13 =	vld.idx.msk [tilespmem:v17+s16+$0x0], $0xffff;
	[tilespmem:s21+$0xFFFFFF80] =	vst v12  }
0x212: {  	v18 =	vadd.s32 v2, v8;
	v11 =	vld.idx.msk [tilespmem:v9+s16+$0x0], $0xffff;
	[tilespmem:s21+$0x0] =	vst v10  }
0x213: {  	v16 =	vadd.s32 v0, v25;
	v9 =	vadd.s32 v5, v25;
	v12 =	vld.idx.msk [tilespmem:v22+s16+$0x0], $0xffff;
	[tilespmem:s21+$0x80] =	vst v21;
	v8 =	vmov v25  }
0x214: {  	v17 =	vadd.s32 v1, v8;
	v10 =	vld.idx.msk [tilespmem:v24+s16+$0x0], $0xffff;
	[tilespmem:s21+$0x100] =	vst v23  }
0x215: {  	_ =	sdelay $0x1  }
0x216: {  	v0 =	vld [tilespmem:s11+$0x50];
	_ =	sdelay $0x1  }
0x217: {  	v1 =	vld.idx.msk [tilespmem:v20+s16+$0x0], $0xffff;
	[tilespmem:s21+$0x180] =	vst v15;
	s14 =	sadd.s32 $0x1000, s21;
	s30 =	simm.s32 $0x0  }
0x218: {  	v3 =	vadd.s32 v3, v8;
	v5 =	vld.idx.msk [tilespmem:v19+s16+$0x0], $0xffff;
	[tilespmem:s14+$0xFFFFFE00] =	vst v14;
	v14 =	vmov s30  }
0x219: {  	v4 =	vadd.s32 v4, v8;
	v6 =	vadd.s32 v6, v8;
	v15 =	vld.idx.msk [tilespmem:v16+s16+$0x0], $0xffff;
	[tilespmem:s14+$0xFFFFFE80] =	vst v13;
	v14 =	vshrl.u32 v14, $0x3  }
0x21a: {  	v7 =	vadd.s32 v7, v8;
	v13 =	vld.idx.msk [tilespmem:v18+s16+$0x0], $0xffff;
	[tilespmem:s14+$0xFFFFFF00] =	vst v11;
	v14 =	vshll.u32 v14, $0xC;
	v11 =	vshll.u32 v0, $0x3  }
0x21b: {  	v16 =	vld.idx.msk [tilespmem:v17+s16+$0x0], $0xffff;
	[tilespmem:s14+$0xFFFFFF80] =	vst v12;
	v12 =	vbroadcast v14, $0x0;
	v0 =	vand.u32 $0x7F, v0;
	v11 =	vand.u32 $0xFFFFFC00, v11  }
0x21c: {  	v9 =	vld.idx.msk [tilespmem:v9+s16+$0x0], $0xffff;
	v2 =	vadd.s32 v2, v8;
	[tilespmem:s14+$0x0] =	vst v10;
	v0 =	vor.u32 v0, v11  }
0x21d: {  	v8 =	vld.idx.msk [tilespmem:v3+s16+$0x0], $0xffff;
	[tilespmem:s14+$0x80] =	vst v1;
	v1 =	vor.u32 $0x80, v0;
	v10 =	vadd.s32 v0, v12  }
0x21e: {  	[tilespmem:s14+$0x100] =	vst v5;
	v17 =	vld.idx.msk [tilespmem:v6+s16+$0x0], $0xffff;
	v5 =	vor.u32 $0x100, v0;
	v14 =	vadd.s32 v1, v12  }
0x21f: {  	s31 =	simm.s32 $0x8;
	[tilespmem:s14+$0x180] =	vst v13;
	s14 =	sadd.s32 $0x1000, s14;
	v11 =	vld.idx.msk [tilespmem:v4+s16+$0x0], $0xffff;
	v3 =	vor.u32 $0x180, v0;
	v13 =	vadd.s32 v5, v12  }
0x220: {  	[tilespmem:s14+$0xFFFFFE00] =	vst v15;
	v15 =	vld.idx.msk [tilespmem:v7+s16+$0x0], $0xffff;
	v7 =	vmov s31;
	v4 =	vor.u32 $0x200, v0;
	v18 =	vadd.s32 v3, v12  }
0x221: {  	[tilespmem:s14+$0xFFFFFE80] =	vst v16;
	v16 =	vld.idx.msk [tilespmem:v2+s16+$0x0], $0xffff;
	v6 =	vor.u32 $0x280, v0;
	v2 =	vshrl.u32 v7, $0x3;
	v19 =	vadd.s32 v4, v12  }
0x222: {  	[tilespmem:s14+$0xFFFFFF00] =	vst v9;
	v7 =	vor.u32 $0x300, v0;
	v9 =	vshll.u32 v2, $0xC;
	v20 =	vadd.s32 v6, v12;
	v10 =	vld.idx.msk [tilespmem:v10+s16+$0x0], $0xffff  }
0x223: {  	v2 =	vor.u32 $0x380, v0;
	[tilespmem:s14+$0xFFFFFF80] =	vst v8;
	v9 =	vbroadcast v9, $0x0;
	v8 =	vld.idx.msk [tilespmem:v14+s16+$0x0], $0xffff;
	v14 =	vadd.s32 v7, v12  }
0x224: {  	[tilespmem:s14+$0x0] =	vst v11;
	v11 =	vld.idx.msk [tilespmem:v13+s16+$0x0], $0xffff;
	v12 =	vadd.s32 v2, v12  }
0x225: {  	[tilespmem:s14+$0x80] =	vst v17;
	v13 =	vadd.s32 v0, v9;
	v17 =	vld.idx.msk [tilespmem:v18+s16+$0x0], $0xffff  }
0x226: {  	[tilespmem:s14+$0x100] =	vst v15;
	v18 =	vadd.s32 v1, v9;
	v21 =	vld.idx.msk [tilespmem:v19+s16+$0x0], $0xffff  }
0x227: {  	[tilespmem:s14+$0x180] =	vst v16;
	v16 =	vadd.s32 v5, v9;
	s14 =	simm.s32 $0x10;
	v22 =	vld.idx.msk [tilespmem:v20+s16+$0x0], $0xffff  }
0x228: {  	v23 =	vadd.s32 v3, v9;
	v15 =	vmov s14;
	[tilespmem:s12+$0xFFFFFE00] =	vst v10;
	v24 =	vld.idx.msk [tilespmem:v14+s16+$0x0], $0xffff  }
0x229: {  	v25 =	vadd.s32 v4, v9;
	v10 =	vshrl.u32 v15, $0x3;
	[tilespmem:s12+$0xFFFFFE80] =	vst v8;
	v15 =	vld.idx.msk [tilespmem:v12+s16+$0x0], $0xffff  }
0x22a: {  	v20 =	vadd.s32 v6, v9;
	v8 =	vshll.u32 v10, $0xC;
	v14 =	vld.idx.msk [tilespmem:v13+s16+$0x0], $0xffff;
	[tilespmem:s12+$0xFFFFFF00] =	vst v11  }
0x22b: {  	v19 =	vadd.s32 v7, v9;
	v13 =	vld.idx.msk [tilespmem:v18+s16+$0x0], $0xffff;
	[tilespmem:s12+$0xFFFFFF80] =	vst v17;
	v8 =	vbroadcast v8, $0x0  }
0x22c: {  	v11 =	vld.idx.msk [tilespmem:v16+s16+$0x0], $0xffff;
	[tilespmem:s12+$0x0] =	vst v21;
	v18 =	vadd.s32 v2, v9  }
0x22d: {  	v12 =	vld.idx.msk [tilespmem:v23+s16+$0x0], $0xffff;
	[tilespmem:s12+$0x80] =	vst v22;
	v16 =	vadd.s32 v0, v8  }
0x22e: {  	s21 =	smov.u32 s12;
	v10 =	vld.idx.msk [tilespmem:v25+s16+$0x0], $0xffff;
	v9 =	vadd.s32 v5, v8;
	v17 =	vadd.s32 v1, v8;
	[tilespmem:s12+$0x100] =	vst v24  }
.LBB2_36:
0x22f: {  	s14 =	sadd.s32 $0x8, s14;
	v21 =	vld.idx.msk [tilespmem:v20+s16+$0x0], $0xffff;
	[tilespmem:s21+$0x180] =	vst v15;
	s21 =	sadd.s32 $0x1000, s21  }
0x230: {  	v22 =	vadd.s32 v3, v8;
	v15 =	vmov s14;
	p0 =	slt.u32 s14, $0x18;
	[tilespmem:s21+$0xFFFFFE00] =	vst v14;
	v23 =	vld.idx.msk [tilespmem:v19+s16+$0x0], $0xffff  }
0x231: {  	v24 =	vadd.s32 v4, v8;
	v14 =	vshrl.u32 v15, $0x3;
	[tilespmem:s21+$0xFFFFFE80] =	vst v13;
	v15 =	vld.idx.msk [tilespmem:v18+s16+$0x0], $0xffff  }
.Ltmp17:
0x232: {  	v20 =	vadd.s32 v6, v8;
	v13 =	vshll.u32 v14, $0xC;
	v14 =	vld.idx.msk [tilespmem:v16+s16+$0x0], $0xffff;
	[tilespmem:s21+$0xFFFFFF00] =	vst v11;
	(pc) =	sbr.rel @p0 .LBB2_36-.Ltmp17, $4  }
0x233: {  	v19 =	vadd.s32 v7, v8;
	v25 =	vbroadcast v13, $0x0;
	v13 =	vld.idx.msk [tilespmem:v17+s16+$0x0], $0xffff;
	[tilespmem:s21+$0xFFFFFF80] =	vst v12  }
0x234: {  	v18 =	vadd.s32 v2, v8;
	v11 =	vld.idx.msk [tilespmem:v9+s16+$0x0], $0xffff;
	[tilespmem:s21+$0x0] =	vst v10  }
0x235: {  	v16 =	vadd.s32 v0, v25;
	v9 =	vadd.s32 v5, v25;
	v12 =	vld.idx.msk [tilespmem:v22+s16+$0x0], $0xffff;
	[tilespmem:s21+$0x80] =	vst v21;
	v8 =	vmov v25  }
0x236: {  	v17 =	vadd.s32 v1, v8;
	v10 =	vld.idx.msk [tilespmem:v24+s16+$0x0], $0xffff;
	[tilespmem:s21+$0x100] =	vst v23  }
0x237: {  	_ =	sdelay $0x1  }
0x238: {  	v0 =	vld [tilespmem:s11+$0x60];
	_ =	sdelay $0x1  }
0x239: {  	v1 =	vld.idx.msk [tilespmem:v20+s16+$0x0], $0xffff;
	[tilespmem:s21+$0x180] =	vst v15;
	s14 =	sadd.s32 $0x1000, s21;
	s30 =	simm.s32 $0x0  }
0x23a: {  	v3 =	vadd.s32 v3, v8;
	v5 =	vld.idx.msk [tilespmem:v19+s16+$0x0], $0xffff;
	[tilespmem:s14+$0xFFFFFE00] =	vst v14;
	v14 =	vmov s30  }
0x23b: {  	v4 =	vadd.s32 v4, v8;
	v6 =	vadd.s32 v6, v8;
	v15 =	vld.idx.msk [tilespmem:v16+s16+$0x0], $0xffff;
	[tilespmem:s14+$0xFFFFFE80] =	vst v13;
	v14 =	vshrl.u32 v14, $0x3  }
0x23c: {  	v7 =	vadd.s32 v7, v8;
	v13 =	vld.idx.msk [tilespmem:v18+s16+$0x0], $0xffff;
	[tilespmem:s14+$0xFFFFFF00] =	vst v11;
	v14 =	vshll.u32 v14, $0xC;
	v11 =	vshll.u32 v0, $0x3  }
0x23d: {  	v16 =	vld.idx.msk [tilespmem:v17+s16+$0x0], $0xffff;
	[tilespmem:s14+$0xFFFFFF80] =	vst v12;
	v12 =	vbroadcast v14, $0x0;
	v0 =	vand.u32 $0x7F, v0;
	v11 =	vand.u32 $0xFFFFFC00, v11  }
0x23e: {  	v9 =	vld.idx.msk [tilespmem:v9+s16+$0x0], $0xffff;
	v2 =	vadd.s32 v2, v8;
	[tilespmem:s14+$0x0] =	vst v10;
	v0 =	vor.u32 v0, v11  }
0x23f: {  	v8 =	vld.idx.msk [tilespmem:v3+s16+$0x0], $0xffff;
	[tilespmem:s14+$0x80] =	vst v1;
	v1 =	vor.u32 $0x80, v0;
	v10 =	vadd.s32 v0, v12  }
0x240: {  	[tilespmem:s14+$0x100] =	vst v5;
	v17 =	vld.idx.msk [tilespmem:v6+s16+$0x0], $0xffff;
	v5 =	vor.u32 $0x100, v0;
	v14 =	vadd.s32 v1, v12  }
0x241: {  	s31 =	simm.s32 $0x8;
	[tilespmem:s14+$0x180] =	vst v13;
	s14 =	sadd.s32 $0x1000, s14;
	v11 =	vld.idx.msk [tilespmem:v4+s16+$0x0], $0xffff;
	v3 =	vor.u32 $0x180, v0;
	v13 =	vadd.s32 v5, v12  }
0x242: {  	[tilespmem:s14+$0xFFFFFE00] =	vst v15;
	v15 =	vld.idx.msk [tilespmem:v7+s16+$0x0], $0xffff;
	v7 =	vmov s31;
	v4 =	vor.u32 $0x200, v0;
	v18 =	vadd.s32 v3, v12  }
0x243: {  	[tilespmem:s14+$0xFFFFFE80] =	vst v16;
	v16 =	vld.idx.msk [tilespmem:v2+s16+$0x0], $0xffff;
	v6 =	vor.u32 $0x280, v0;
	v2 =	vshrl.u32 v7, $0x3;
	v19 =	vadd.s32 v4, v12  }
0x244: {  	[tilespmem:s14+$0xFFFFFF00] =	vst v9;
	v7 =	vor.u32 $0x300, v0;
	v9 =	vshll.u32 v2, $0xC;
	v20 =	vadd.s32 v6, v12;
	v10 =	vld.idx.msk [tilespmem:v10+s16+$0x0], $0xffff  }
0x245: {  	v2 =	vor.u32 $0x380, v0;
	[tilespmem:s14+$0xFFFFFF80] =	vst v8;
	v9 =	vbroadcast v9, $0x0;
	v8 =	vld.idx.msk [tilespmem:v14+s16+$0x0], $0xffff;
	v14 =	vadd.s32 v7, v12  }
0x246: {  	[tilespmem:s14+$0x0] =	vst v11;
	v11 =	vld.idx.msk [tilespmem:v13+s16+$0x0], $0xffff;
	v12 =	vadd.s32 v2, v12  }
0x247: {  	[tilespmem:s14+$0x80] =	vst v17;
	v13 =	vadd.s32 v0, v9;
	v17 =	vld.idx.msk [tilespmem:v18+s16+$0x0], $0xffff  }
0x248: {  	[tilespmem:s14+$0x100] =	vst v15;
	v18 =	vadd.s32 v1, v9;
	v21 =	vld.idx.msk [tilespmem:v19+s16+$0x0], $0xffff  }
0x249: {  	[tilespmem:s14+$0x180] =	vst v16;
	v16 =	vadd.s32 v5, v9;
	s14 =	simm.s32 $0x10;
	v22 =	vld.idx.msk [tilespmem:v20+s16+$0x0], $0xffff  }
0x24a: {  	v23 =	vadd.s32 v3, v9;
	v15 =	vmov s14;
	[tilespmem:s13+$0xFFFFFE00] =	vst v10;
	v24 =	vld.idx.msk [tilespmem:v14+s16+$0x0], $0xffff  }
0x24b: {  	v25 =	vadd.s32 v4, v9;
	v10 =	vshrl.u32 v15, $0x3;
	[tilespmem:s13+$0xFFFFFE80] =	vst v8;
	v15 =	vld.idx.msk [tilespmem:v12+s16+$0x0], $0xffff  }
0x24c: {  	v20 =	vadd.s32 v6, v9;
	v8 =	vshll.u32 v10, $0xC;
	v14 =	vld.idx.msk [tilespmem:v13+s16+$0x0], $0xffff;
	[tilespmem:s13+$0xFFFFFF00] =	vst v11  }
0x24d: {  	v19 =	vadd.s32 v7, v9;
	v13 =	vld.idx.msk [tilespmem:v18+s16+$0x0], $0xffff;
	[tilespmem:s13+$0xFFFFFF80] =	vst v17;
	v8 =	vbroadcast v8, $0x0  }
0x24e: {  	v11 =	vld.idx.msk [tilespmem:v16+s16+$0x0], $0xffff;
	[tilespmem:s13+$0x0] =	vst v21;
	v18 =	vadd.s32 v2, v9  }
0x24f: {  	v12 =	vld.idx.msk [tilespmem:v23+s16+$0x0], $0xffff;
	[tilespmem:s13+$0x80] =	vst v22;
	v16 =	vadd.s32 v0, v8  }
0x250: {  	s21 =	smov.u32 s13;
	v10 =	vld.idx.msk [tilespmem:v25+s16+$0x0], $0xffff;
	v9 =	vadd.s32 v5, v8;
	v17 =	vadd.s32 v1, v8;
	[tilespmem:s13+$0x100] =	vst v24  }
.LBB2_38:
0x251: {  	s14 =	sadd.s32 $0x8, s14;
	v21 =	vld.idx.msk [tilespmem:v20+s16+$0x0], $0xffff;
	[tilespmem:s21+$0x180] =	vst v15;
	s21 =	sadd.s32 $0x1000, s21  }
0x252: {  	v22 =	vadd.s32 v3, v8;
	v15 =	vmov s14;
	p0 =	slt.u32 s14, $0x18;
	[tilespmem:s21+$0xFFFFFE00] =	vst v14;
	v23 =	vld.idx.msk [tilespmem:v19+s16+$0x0], $0xffff  }
0x253: {  	v24 =	vadd.s32 v4, v8;
	v14 =	vshrl.u32 v15, $0x3;
	[tilespmem:s21+$0xFFFFFE80] =	vst v13;
	v15 =	vld.idx.msk [tilespmem:v18+s16+$0x0], $0xffff  }
.Ltmp18:
0x254: {  	v20 =	vadd.s32 v6, v8;
	v13 =	vshll.u32 v14, $0xC;
	v14 =	vld.idx.msk [tilespmem:v16+s16+$0x0], $0xffff;
	[tilespmem:s21+$0xFFFFFF00] =	vst v11;
	(pc) =	sbr.rel @p0 .LBB2_38-.Ltmp18, $4  }
0x255: {  	v19 =	vadd.s32 v7, v8;
	v25 =	vbroadcast v13, $0x0;
	v13 =	vld.idx.msk [tilespmem:v17+s16+$0x0], $0xffff;
	[tilespmem:s21+$0xFFFFFF80] =	vst v12  }
0x256: {  	v18 =	vadd.s32 v2, v8;
	v11 =	vld.idx.msk [tilespmem:v9+s16+$0x0], $0xffff;
	[tilespmem:s21+$0x0] =	vst v10  }
0x257: {  	v16 =	vadd.s32 v0, v25;
	v9 =	vadd.s32 v5, v25;
	v12 =	vld.idx.msk [tilespmem:v22+s16+$0x0], $0xffff;
	[tilespmem:s21+$0x80] =	vst v21;
	v8 =	vmov v25  }
0x258: {  	v17 =	vadd.s32 v1, v8;
	v10 =	vld.idx.msk [tilespmem:v24+s16+$0x0], $0xffff;
	[tilespmem:s21+$0x100] =	vst v23  }
0x259: {  	_ =	sdelay $0x2  }
0x25a: {  	v0 =	vld [tilespmem:s11+$0x70]  }
0x25b: {  	v1 =	vld.idx.msk [tilespmem:v20+s16+$0x0], $0xffff;
	[tilespmem:s21+$0x180] =	vst v15;
	s30 =	sadd.s32 $0x1000, s21  }
0x25c: {  	s14 =	simm.s32 $0x0;
	v3 =	vadd.s32 v3, v8;
	v5 =	vld.idx.msk [tilespmem:v19+s16+$0x0], $0xffff;
	[tilespmem:s30+$0xFFFFFE00] =	vst v14  }
0x25d: {  	v4 =	vadd.s32 v4, v8;
	v15 =	vld.idx.msk [tilespmem:v16+s16+$0x0], $0xffff;
	v14 =	vmov s14;
	[tilespmem:s30+$0xFFFFFE80] =	vst v13  }
0x25e: {  	v6 =	vadd.s32 v6, v8;
	v16 =	vld.idx.msk [tilespmem:v17+s16+$0x0], $0xffff;
	v14 =	vshrl.u32 v14, $0x3;
	[tilespmem:s30+$0xFFFFFF00] =	vst v11  }
0x25f: {  	v7 =	vadd.s32 v7, v8;
	v13 =	vld.idx.msk [tilespmem:v18+s16+$0x0], $0xffff;
	v14 =	vshll.u32 v14, $0xC;
	[tilespmem:s30+$0xFFFFFF80] =	vst v12;
	v11 =	vshll.u32 v0, $0x3  }
0x260: {  	v9 =	vld.idx.msk [tilespmem:v9+s16+$0x0], $0xffff;
	v12 =	vbroadcast v14, $0x0;
	[tilespmem:s30+$0x0] =	vst v10;
	v0 =	vand.u32 $0x7F, v0;
	v11 =	vand.u32 $0xFFFFFC00, v11  }
0x261: {  	v8 =	vadd.s32 v2, v8;
	v10 =	vld.idx.msk [tilespmem:v3+s16+$0x0], $0xffff;
	[tilespmem:s30+$0x80] =	vst v1;
	v0 =	vor.u32 v0, v11  }
0x262: {  	s31 =	simm.s32 $0x8;
	s11 =	sadd.s32 $0x1000, s30;
	v14 =	vld.idx.msk [tilespmem:v4+s16+$0x0], $0xffff;
	[tilespmem:s30+$0x100] =	vst v5;
	v1 =	vor.u32 $0x80, v0;
	v11 =	vadd.s32 v0, v12  }
0x263: {  	v18 =	vld.idx.msk [tilespmem:v6+s16+$0x0], $0xffff;
	[tilespmem:s11+$0xFFFFFE00] =	vst v15;
	v6 =	vmov s31;
	v3 =	vor.u32 $0x100, v0;
	v17 =	vadd.s32 v1, v12  }
0x264: {  	v15 =	vld.idx.msk [tilespmem:v7+s16+$0x0], $0xffff;
	[tilespmem:s30+$0x180] =	vst v13;
	v7 =	vshrl.u32 v6, $0x3;
	v2 =	vor.u32 $0x180, v0;
	v13 =	vadd.s32 v3, v12  }
0x265: {  	[tilespmem:s11+$0xFFFFFF00] =	vst v9;
	v9 =	vshll.u32 v7, $0xC;
	v4 =	vor.u32 $0x200, v0;
	v19 =	vadd.s32 v2, v12  }
0x266: {  	[tilespmem:s11+$0xFFFFFE80] =	vst v16;
	v8 =	vld.idx.msk [tilespmem:v8+s16+$0x0], $0xffff;
	v5 =	vor.u32 $0x280, v0;
	v9 =	vbroadcast v9, $0x0;
	v16 =	vadd.s32 v4, v12  }
0x267: {  	v20 =	vadd.s32 v5, v12;
	[tilespmem:s11+$0xFFFFFF80] =	vst v10;
	v11 =	vld.idx.msk [tilespmem:v11+s16+$0x0], $0xffff  }
0x268: {  	v6 =	vor.u32 $0x300, v0;
	[tilespmem:s11+$0x0] =	vst v14;
	v14 =	vadd.s32 v0, v9;
	v10 =	vld.idx.msk [tilespmem:v17+s16+$0x0], $0xffff  }
0x269: {  	v7 =	vor.u32 $0x380, v0;
	v17 =	vadd.s32 v6, v12;
	v13 =	vld.idx.msk [tilespmem:v13+s16+$0x0], $0xffff  }
0x26a: {  	[tilespmem:s11+$0x80] =	vst v18;
	v12 =	vadd.s32 v7, v12;
	v18 =	vld.idx.msk [tilespmem:v19+s16+$0x0], $0xffff  }
0x26b: {  	[tilespmem:s11+$0x100] =	vst v15;
	v25 =	vadd.s32 v4, v9;
	v16 =	vld.idx.msk [tilespmem:v16+s16+$0x0], $0xffff  }
0x26c: {  	[tilespmem:s11+$0x180] =	vst v8;
	s11 =	simm.s32 $0x10;
	v19 =	vadd.s32 v1, v9;
	v22 =	vld.idx.msk [tilespmem:v20+s16+$0x0], $0xffff  }
0x26d: {  	v21 =	vadd.s32 v3, v9;
	v8 =	vmov s11;
	[tilespmem:s7+$0xFFFFFE00] =	vst v11;
	v11 =	vld.idx.msk [tilespmem:v14+s16+$0x0], $0xffff  }
0x26e: {  	v23 =	vadd.s32 v2, v9;
	v8 =	vshrl.u32 v8, $0x3;
	v24 =	vld.idx.msk [tilespmem:v17+s16+$0x0], $0xffff;
	[tilespmem:s7+$0xFFFFFE80] =	vst v10  }
0x26f: {  	v8 =	vshll.u32 v8, $0xC;
	v20 =	vadd.s32 v5, v9;
	v15 =	vld.idx.msk [tilespmem:v12+s16+$0x0], $0xffff;
	[tilespmem:s7+$0xFFFFFF00] =	vst v13  }
0x270: {  	v8 =	vbroadcast v8, $0x0;
	v14 =	vld.idx.msk [tilespmem:v25+s16+$0x0], $0xffff;
	[tilespmem:s7+$0xFFFFFF80] =	vst v18;
	v18 =	vadd.s32 v6, v9  }
0x271: {  	v12 =	vld.idx.msk [tilespmem:v19+s16+$0x0], $0xffff;
	[tilespmem:s7+$0x0] =	vst v16;
	v17 =	vadd.s32 v7, v9  }
0x272: {  	v10 =	vld.idx.msk [tilespmem:v21+s16+$0x0], $0xffff;
	v16 =	vadd.s32 v0, v8;
	[tilespmem:s7+$0x80] =	vst v22  }
0x273: {  	s14 =	smov.u32 s7;
	v13 =	vld.idx.msk [tilespmem:v23+s16+$0x0], $0xffff;
	v9 =	vadd.s32 v3, v8;
	v19 =	vadd.s32 v1, v8;
	[tilespmem:s7+$0x100] =	vst v24  }
.LBB2_40:
0x274: {  	s11 =	sadd.s32 $0x8, s11;
	v21 =	vld.idx.msk [tilespmem:v20+s16+$0x0], $0xffff;
	[tilespmem:s14+$0x180] =	vst v15;
	s14 =	sadd.s32 $0x1000, s14  }
0x275: {  	v22 =	vadd.s32 v2, v8;
	v15 =	vmov s11;
	p0 =	slt.u32 s11, $0x18;
	[tilespmem:s14+$0xFFFFFE00] =	vst v11;
	v23 =	vld.idx.msk [tilespmem:v18+s16+$0x0], $0xffff  }
0x276: {  	v24 =	vadd.s32 v4, v8;
	v11 =	vshrl.u32 v15, $0x3;
	[tilespmem:s14+$0xFFFFFE80] =	vst v12;
	v15 =	vld.idx.msk [tilespmem:v17+s16+$0x0], $0xffff  }
.Ltmp19:
0x277: {  	v20 =	vadd.s32 v5, v8;
	v12 =	vshll.u32 v11, $0xC;
	v11 =	vld.idx.msk [tilespmem:v16+s16+$0x0], $0xffff;
	[tilespmem:s14+$0xFFFFFF00] =	vst v10;
	(pc) =	sbr.rel @p0 .LBB2_40-.Ltmp19, $4  }
0x278: {  	v18 =	vadd.s32 v6, v8;
	v25 =	vbroadcast v12, $0x0;
	v12 =	vld.idx.msk [tilespmem:v19+s16+$0x0], $0xffff;
	[tilespmem:s14+$0xFFFFFF80] =	vst v13  }
0x279: {  	v17 =	vadd.s32 v7, v8;
	v10 =	vld.idx.msk [tilespmem:v9+s16+$0x0], $0xffff;
	[tilespmem:s14+$0x0] =	vst v14  }
0x27a: {  	v16 =	vadd.s32 v0, v25;
	v9 =	vadd.s32 v3, v25;
	v13 =	vld.idx.msk [tilespmem:v22+s16+$0x0], $0xffff;
	[tilespmem:s14+$0x80] =	vst v21;
	v8 =	vmov v25  }
0x27b: {  	v19 =	vadd.s32 v1, v8;
	v14 =	vld.idx.msk [tilespmem:v24+s16+$0x0], $0xffff;
	[tilespmem:s14+$0x100] =	vst v23  }
0x27c: {  	_ =	sdelay $0x2  }
0x27d: {  	[tilespmem:s14+$0x180] =	vst v15;
	s11 =	sadd.s32 $0x1000, s14  }
0x27e: {  	v0 =	vld.idx.msk [tilespmem:v20+s16+$0x0], $0xffff;
	[tilespmem:s11+$0xFFFFFE00] =	vst v11  }
0x27f: {  	v1 =	vadd.s32 v2, v8;
	v55 =	vld.idx.msk [tilespmem:v18+s16+$0x0], $0xffff;
	[tilespmem:s11+$0xFFFFFE80] =	vst v12  }
0x280: {  	v3 =	vadd.s32 v4, v8;
	v56 =	vld.idx.msk [tilespmem:v17+s16+$0x0], $0xffff;
	[tilespmem:s11+$0xFFFFFF00] =	vst v10  }
0x281: {  	v57 =	vld.idx.msk [tilespmem:v16+s16+$0x0], $0xffff;
	v5 =	vadd.s32 v5, v8;
	[tilespmem:s11+$0xFFFFFF80] =	vst v13  }
0x282: {  	v58 =	vld.idx.msk [tilespmem:v19+s16+$0x0], $0xffff;
	v6 =	vadd.s32 v6, v8;
	[tilespmem:s11+$0x0] =	vst v14  }
0x283: {  	v9 =	vld.idx.msk [tilespmem:v9+s16+$0x0], $0xffff;
	v7 =	vadd.s32 v7, v8;
	[tilespmem:s11+$0x80] =	vst v0  }
0x284: {  	v59 =	vld.idx.msk [tilespmem:v1+s16+$0x0], $0xffff;
	[tilespmem:s11+$0x100] =	vst v55  }
0x285: {  	v60 =	vld.idx.msk [tilespmem:v3+s16+$0x0], $0xffff;
	[tilespmem:s11+$0x180] =	vst v56;
	s11 =	sadd.s32 $0x1000, s11  }
0x286: {  	v61 =	vld.idx.msk [tilespmem:v5+s16+$0x0], $0xffff;
	[tilespmem:s11+$0xFFFFFE00] =	vst v57  }
0x287: {  	v62 =	vld.idx.msk [tilespmem:v6+s16+$0x0], $0xffff;
	[tilespmem:s11+$0xFFFFFE80] =	vst v58  }
0x288: {  	p0 =	slt.u32 s8, $0x18;
	v63 =	vld.idx.msk [tilespmem:v7+s16+$0x0], $0xffff;
	[tilespmem:s11+$0xFFFFFF00] =	vst v9  }
.Ltmp20:
0x289: {  	[tilespmem:s11+$0xFFFFFF80] =	vst v59;
	(pc) =	sbr.rel @p0 .LBB2_25-.Ltmp20, $4  }
0x28a: {  	[tilespmem:s11+$0x0] =	vst v60  }
0x28b: {  	s8 =	sadd.s32 $0x8, s8;
	s26 =	sadd.s32 $0x400, s26;
	s28 =	sadd.s32 $0x400, s28;
	[tilespmem:s11+$0x80] =	vst v61  }
0x28c: {  	s29 =	sadd.s32 $0x400, s29;
	s2 =	sadd.s32 $0x400, s2;
	s0 =	sadd.s32 $0x400, s0;
	[tilespmem:s11+$0x100] =	vst v62  }
0x28d: {  	s12 =	sadd.s32 $0x400, s12;
	s13 =	sadd.s32 $0x400, s13;
	s7 =	sadd.s32 $0x400, s7;
	[tilespmem:s11+$0x180] =	vst v63  }
0x28e: {  	s23 =	sadd.s32 $0x1, s23  }
0x28f: {  	p0 =	sne.s32 s23, $0x20  }
.Ltmp21:
0x290: {  	_ = 	snop;
	(pc) =	sbr.rel @p0 .LBB2_2-.Ltmp21, $4  }
0x291: {  	s0 =	sor.u32 s24, s25  }
0x292: {  	s0 =	sshrl.u32 s0, $0x3  }
0x293: {  	s0 =	sadd.s32 s3, s0  }
0x294: {  	[hbm4b:s0+s4] =	stream.linear.scatter [tilespmem:s20], [sflag:$0x4], $0x4000, $0x38;
	[tilespmem:$0x10200] =	vst v63  }
0x295: {  	s0 =	simm.s32 $0x3  }
0x296: {  	_ =	swait.ge [sflag:s0], $0x4000  }
0x297: {  	[sflag:s0] =	ssyncset.done $0x0  }
0x298: {  	[sflag:s0] =	ssyncadd.s32 $0xFFFFC000  }
0x299: {  	_ =	swait.ge [sflag:s19], $0x4000  }
0x29a: {  	s22 =	sadd.s32 $0x1, s22;
	s31 =	rddreg [dreg:$0x6]  }
0x29b: {  	p0 =	sne.s32 s22, s31  }
.Ltmp22:
0x29c: {  	_ = 	snop;
	(pc) =	sbr.rel @p0 .LBB2_1-.Ltmp22, $3  }
0x29d: {  	_ =	sdelay $0x1  }
0x29e: {  	[sflag:s19] =	ssyncset.done $0x0  }
0x29f: {  	[sflag:s19] =	ssyncadd.s32 $0xFFFFC000  }
0x2a0: {  	_ =	sfence.sel $0x180000  }
0x2a1: {  	[bflag:$0x0] =	sbarrier.arrive $0xFFFF  }
0x2a2: {  	_ =	strace $0x90000047  }
0x2a3: {  	s0 =	stileid.u32;
	[bflag:$0x2] =	sbarrier.arrive $0xFFFF  }
0x2a4: {  	p0 =	sne.s32 s0, $0x0;
	s0 =	rddreg [dreg:$0x3]  }
0x2a5: {  	s0 =	sadd.s32 @!p0 $0x100000, s0  }
0x2a6: {  	[sflag:s0] =	ssyncadd.tile.s32 @!p0 $0x1;
	_ =	shalt  }
.Lfunc_end2:
_tile_overlayer_lowered:
.L_overlay_start_2:
0x2a7: {  	(tag) =	ssettag $0x2  }
0x2a8: {  	s0 =	rddreg [dreg:$0x0];
	s2 =	stileid.u32  }
0x2a9: {  	s1 =	rddreg [dreg:$0x1];
	p0 =	sne.s32 s2, $0x0  }
0x2aa: {  	s3 =	rddreg [dreg:$0x2];
	[bflag:$0x3] =	sbarrier.arrive $0xFFFF;
	s2 =	simm.s32 @!p0 $0x1C05  }
0x2ab: {  	[timem:s3], [sflag:s2] =	dma.local @!p0 [hbm:s0], s1  }
0x2ac: {  	s0 =	simm.s32 @!p0 $0x5  }
0x2ad: {  	_ =	swait.ge @!p0 [sflag:s0], s1  }
0x2ae: {  	s1 =	ssub.s32 @!p0 $0x0, s1;
	[sflag:s0] =	ssyncset.done @!p0 $0x0  }
0x2af: {  	[sflag:s0] =	ssyncadd.s32 @!p0 s1  }
0x2b0: {  	[bflag:$0x3] =	sbarrier.arrive $0xFFFF  }
0x2b1: {  	_ =	shalt  }

</sc_bundles>
